<compile_context>
chip_gen: v7x
topology: tpu7x:2x2x1
jax: 0.10.2.dev20260603
libtpu: 0.0.44.dev20260713+nightly
codegen_flags: <defaults>
</compile_context>

<pallas_src>
import functools

import jax
import jax.numpy as jnp
from jax import lax
from jax.experimental import pallas as pl
from jax.experimental.pallas import tpu as pltpu
from jax.experimental.pallas import tpu_sc as plsc

N = 10000
NP = 10240
E = 320000
IN_DIM = 128
HID = 128
OUT = 64
NC, NS = 2, 16
NW = NC * NS
EPW = 10240
EP = NW * EPW
CHUNK = 128
NCHUNK = EPW // CHUNK
RPS = NP // NS
ROWB = 512
GRID = NP // ROWB

_MESH = plsc.VectorSubcoreMesh(core_axis_name="c", subcore_axis_name="s")



def _sc_deg_body(dst_hbm, p_hbm, idx_v, ones_v, z_v, psh):
    c = lax.axis_index("c")
    s = lax.axis_index("s")
    wid = s * NC + c
    for i in range(CHUNK // 16):
        ones_v[pl.ds(16 * i, 16)] = jnp.ones((16,), jnp.float32)

    def zb(i, _):
        z_v[pl.ds(i * 16, 16)] = jnp.zeros((16,), jnp.float32)
        return 0

    lax.fori_loop(0, RPS // 16, zb, 0)
    pltpu.sync_copy(z_v, psh.at[pl.ds(s * RPS, RPS)])
    plsc.subcore_barrier()

    pltpu.sync_copy(dst_hbm.at[pl.ds(wid * NCHUNK, NCHUNK)], idx_v)

    def step(j, _):
        pltpu.sync_copy(ones_v, psh.at[idx_v.at[j]], add=True)
        return 0

    lax.fori_loop(0, NCHUNK, step, 0)
    plsc.subcore_barrier()
    pltpu.sync_copy(psh.at[pl.ds(s * RPS, RPS)],
                    p_hbm.at[c, pl.ds(s * RPS, RPS)])


_sc_deg = pl.kernel(
    _sc_deg_body,
    out_type=jax.ShapeDtypeStruct((NC, NP), jnp.float32),
    mesh=_MESH,
    scratch_types=[
        pltpu.VMEM((NCHUNK, CHUNK), jnp.int32),
        pltpu.VMEM((CHUNK,), jnp.float32),
        pltpu.VMEM((RPS,), jnp.float32),
        pltpu.VMEM_SHARED((NP,), jnp.float32),
    ],
)



def _sc_agg_body(dim, src_hbm, dst_hbm, h_hbm, agg_hbm,
                 isrc_v, idst_v, rows_v, acc_sh, sem):
    c = lax.axis_index("c")
    s = lax.axis_index("s")
    wid = s * NC + c
    nv = dim // 16

    def zrow(i, _):
        for k in range(nv):
            rows_v[i, pl.ds(16 * k, 16)] = jnp.zeros((16,), jnp.float32)
        return 0

    lax.fori_loop(0, CHUNK, zrow, 0)
    for t in range(RPS // CHUNK):
        pltpu.sync_copy(rows_v, acc_sh.at[pl.ds(s * RPS + t * CHUNK, CHUNK)])
    plsc.subcore_barrier()

    pltpu.sync_copy(src_hbm.at[pl.ds(wid * NCHUNK, NCHUNK)], isrc_v)
    pltpu.sync_copy(dst_hbm.at[pl.ds(wid * NCHUNK, NCHUNK)], idst_v)

    def step(j, _):
        pltpu.async_copy(h_hbm.at[isrc_v.at[j]], rows_v, sem).wait()
        pltpu.sync_copy(rows_v, acc_sh.at[idst_v.at[j]], add=True)
        return 0

    lax.fori_loop(0, NCHUNK, step, 0)
    plsc.subcore_barrier()
    pltpu.sync_copy(acc_sh.at[pl.ds(s * RPS, RPS)],
                    agg_hbm.at[c, pl.ds(s * RPS, RPS)])


def _make_sc_agg(dim):
    return pl.kernel(
        functools.partial(_sc_agg_body, dim),
        out_type=jax.ShapeDtypeStruct((NC, NP, dim), jnp.float32),
        mesh=_MESH,
        scratch_types=[
            pltpu.VMEM((NCHUNK, CHUNK), jnp.int32),
            pltpu.VMEM((NCHUNK, CHUNK), jnp.int32),
            pltpu.VMEM((CHUNK, dim), jnp.float32),
            pltpu.VMEM_SHARED((NP, dim), jnp.float32),
            pltpu.SemaphoreType.DMA,
        ],
        compiler_params=pltpu.CompilerParams(use_tc_tiling_on_sc=False),
    )


_sc_agg_hid = _make_sc_agg(HID)
_sc_agg_out = _make_sc_agg(OUT)



def _dinv_body(p_ref, o_ref):
    o_ref[...] = lax.rsqrt(p_ref[0] + p_ref[1] + 1.0)


_tc_dinv = pl.pallas_call(
    _dinv_body,
    out_shape=jax.ShapeDtypeStruct((NP // 128, 128), jnp.float32),
)


def _mm1_body(x_ref, w_ref, dv_ref, o_ref):
    o_ref[...] = jnp.dot(x_ref[...], w_ref[...],
                         preferred_element_type=jnp.float32) * dv_ref[...]


_tc_mm1 = pl.pallas_call(
    _mm1_body,
    grid=(GRID,),
    in_specs=[
        pl.BlockSpec((ROWB, IN_DIM), lambda i: (i, 0)),
        pl.BlockSpec((IN_DIM, HID), lambda i: (0, 0)),
        pl.BlockSpec((ROWB, 1), lambda i: (i, 0)),
    ],
    out_specs=pl.BlockSpec((ROWB, HID), lambda i: (i, 0)),
    out_shape=jax.ShapeDtypeStruct((NP, HID), jnp.float32),
)


def _mid_body(agg_ref, h_ref, dv_ref, b_ref, w_ref, o_ref):
    t = (agg_ref[0] + agg_ref[1] + h_ref[...]) * dv_ref[...] + b_ref[...]
    t = jnp.maximum(t, 0.0)
    o_ref[...] = jnp.dot(t, w_ref[...],
                         preferred_element_type=jnp.float32) * dv_ref[...]


_tc_mid = pl.pallas_call(
    _mid_body,
    grid=(GRID,),
    in_specs=[
        pl.BlockSpec((NC, ROWB, HID), lambda i: (0, i, 0)),
        pl.BlockSpec((ROWB, HID), lambda i: (i, 0)),
        pl.BlockSpec((ROWB, 1), lambda i: (i, 0)),
        pl.BlockSpec((1, HID), lambda i: (0, 0)),
        pl.BlockSpec((HID, OUT), lambda i: (0, 0)),
    ],
    out_specs=pl.BlockSpec((ROWB, OUT), lambda i: (i, 0)),
    out_shape=jax.ShapeDtypeStruct((NP, OUT), jnp.float32),
)


def _fin_body(agg_ref, h_ref, dv_ref, b_ref, o_ref):
    o_ref[...] = ((agg_ref[0] + agg_ref[1] + h_ref[...]) * dv_ref[...]
                  + b_ref[...])


_tc_fin = pl.pallas_call(
    _fin_body,
    grid=(GRID,),
    in_specs=[
        pl.BlockSpec((NC, ROWB, OUT), lambda i: (0, i, 0)),
        pl.BlockSpec((ROWB, OUT), lambda i: (i, 0)),
        pl.BlockSpec((ROWB, 1), lambda i: (i, 0)),
        pl.BlockSpec((1, OUT), lambda i: (0, 0)),
    ],
    out_specs=pl.BlockSpec((ROWB, OUT), lambda i: (i, 0)),
    out_shape=jax.ShapeDtypeStruct((NP, OUT), jnp.float32),
)



def kernel(x, edge_index, W1, b1, W2, b2):
    ei = edge_index.astype(jnp.int32)
    pad = jnp.full((EP - E,), NP - 1, jnp.int32)
    src2d = jnp.concatenate([ei[0], pad]).reshape(EP // CHUNK, CHUNK)
    dst2d = jnp.concatenate([ei[1], pad]).reshape(EP // CHUNK, CHUNK)
    x_p = jnp.pad(x, ((0, NP - N), (0, 0)))

    p = _sc_deg(dst2d)
    dinv_col = _tc_dinv(p.reshape(2, NP // 128, 128)).reshape(NP, 1)
    h1p = _tc_mm1(x_p, W1, dinv_col)
    agg1 = _sc_agg_hid(src2d, dst2d, h1p)
    h2p = _tc_mid(agg1, h1p, dinv_col, b1.reshape(1, HID), W2)
    agg2 = _sc_agg_out(src2d, dst2d, h2p)
    out = _tc_fin(agg2, h2p, dinv_col, b2.reshape(1, OUT))
    return out[:N]

# --- scband reference (transcript-rebuilt; emitter-appended) ---
"""Pipeline reference for scband-gcnencoder-66915590472502 (READ-ONLY COPY).

The authoritative reference and input builder live on the scoring server;
editing this copy changes nothing except your own understanding.
"""

import jax, jax.numpy as jnp
import numpy as np

N_NODES = 10000
IN_DIM = 128
HID_DIM = 128  # 2 * output_dim
OUT_DIM = 64
N_EDGES = 320000


def gcn_conv(x, src, dst, W, b, num_nodes):
    # x' = D^{-1/2} (A + I) D^{-1/2} X W + b   (GCNConv with add_self_loops)
    sl = jnp.arange(num_nodes, dtype=src.dtype)
    src_f = jnp.concatenate([src, sl])
    dst_f = jnp.concatenate([dst, sl])
    h = x @ W
    deg = jnp.zeros((num_nodes,), dtype=h.dtype).at[dst_f].add(1.0)
    deg_inv_sqrt = jnp.where(deg > 0, deg ** -0.5, 0.0)
    norm = deg_inv_sqrt[src_f] * deg_inv_sqrt[dst_f]
    msg = h[src_f] * norm[:, None]
    out = jnp.zeros((num_nodes, W.shape[1]), dtype=h.dtype).at[dst_f].add(msg)
    return out + b


def setup_inputs(seed: int = 0) -> dict:
    key = jax.random.key(seed)
    k1, k2, k3, k4 = jax.random.split(key, 4)
    x = jax.random.normal(k1, (N_NODES, IN_DIM), dtype=jnp.float32)
    edge_index = jax.random.randint(k2, (2, N_EDGES), 0, N_NODES, dtype=jnp.int64)
    # glorot-style init for GCN weights
    W1 = jax.random.normal(k3, (IN_DIM, HID_DIM), dtype=jnp.float32) * (1.0 / np.sqrt(IN_DIM))
    b1 = jnp.zeros((HID_DIM,), dtype=jnp.float32)
    W2 = jax.random.normal(k4, (HID_DIM, OUT_DIM), dtype=jnp.float32) * (1.0 / np.sqrt(HID_DIM))
    b2 = jnp.zeros((OUT_DIM,), dtype=jnp.float32)
    return {"x": x, "edge_index": edge_index, "W1": W1, "b1": b1, "W2": W2, "b2": b2}


def reference(x, edge_index, W1, b1, W2, b2):
    src = edge_index[0]
    dst = edge_index[1]
    h = gcn_conv(x, src, dst, W1, b1, N_NODES)
    h = jax.nn.relu(h)
    out = gcn_conv(h, src, dst, W2, b2, N_NODES)
    return out

if __name__ == "__main__":
    import jax
    _d = setup_inputs()
    print(jax.jit(kernel)(*tuple(_d.values())))

</pallas_src>

<mosaic_0001>
#map = affine_map<(d0, d1) -> (0, 0)>
#map1 = affine_map<(d0, d1) -> (0, 0, 0)>
module attributes {stable_mosaic.version = 14 : i64} {
  func.func @_sc_agg_body(%arg0: i32, %arg1: i32, %arg2: memref<2560x128xi32, #tpu.memory_space<hbm>>, %arg3: memref<2560x128xi32, #tpu.memory_space<hbm>>, %arg4: memref<10240x64xf32, #tpu.memory_space<hbm>>, %arg5: memref<2x10240x64xf32, #tpu.memory_space<hbm>>, %arg6: memref<80x128xi32, #tpu.memory_space<vmem>>, %arg7: memref<80x128xi32, #tpu.memory_space<vmem>>, %arg8: memref<128x64xf32, #tpu.memory_space<vmem>>, %arg9: memref<10240x64xf32, #tpu.memory_space<vmem_shared>>, %arg10: memref<!tpu.dma_semaphore, #tpu.memory_space<semaphore_mem>>) attributes {dimension_semantics = [#tpu.dimension_semantics<core_parallel>, #tpu.dimension_semantics<subcore_parallel>], iteration_bounds = array<i64: 2, 16>, scalar_prefetch = 0 : i64, scratch_operands = 5 : i64, tpu.core_type = #tpu.core_type<sc_vector_subcore>, window_params = [{transform_indices = #map}, {transform_indices = #map}, {transform_indices = #map}, {transform_indices = #map1}]} {
    %mul3A = arith.constant 2 : i32
    %mul3A_0 = arith.muli %arg1, %mul3A : i32
    %add3A = arith.addi %mul3A_0, %arg0 : i32
    %scan3A = arith.constant 0 : i32
    %scan3A_1 = arith.constant 0 : i32
    %scan3A_2 = arith.constant 128 : i32
    %scan3A_3 = arith.addi %scan3A_1, %scan3A_2 : i32
    %scan3A_4 = arith.constant 1 : i32
    %scan3A_5 = scf.for %scan3A_43 = %scan3A_1 to %scan3A_3 step %scan3A_4 iter_args(%scan3A_44 = %scan3A) -> (i32)  : i32 {
      %broadcast_in_dim3A = arith.constant 0.000000e+00 : f32
      %broadcast_in_dim3A_45 = vector.broadcast %broadcast_in_dim3A : f32 to vector<16xf32>
      %swap3A = arith.index_cast %scan3A_43 : i32 to index
      %swap3A_46 = arith.constant 0 : index
      %swap3A_47 = tpu.vector_load %arg8[%swap3A, %swap3A_46] {strides = array<i32>} : memref<128x64xf32, #tpu.memory_space<vmem>>, vector<1x16xf32>,
      %swap3A_48 = vector.shape_cast %swap3A_47 : vector<1x16xf32> to vector<16xf32>
      %swap3A_49 = vector.shape_cast %broadcast_in_dim3A_45 : vector<16xf32> to vector<1x16xf32>
      tpu.vector_store %arg8[%swap3A, %swap3A_46], %swap3A_49 {strides = array<i32>} : memref<128x64xf32, #tpu.memory_space<vmem>>, vector<1x16xf32>,
      %broadcast_in_dim3A_50 = arith.constant 0.000000e+00 : f32
      %broadcast_in_dim3A_51 = vector.broadcast %broadcast_in_dim3A_50 : f32 to vector<16xf32>
      %swap3A_52 = arith.index_cast %scan3A_43 : i32 to index
      %swap3A_53 = arith.constant 16 : index
      %swap3A_54 = tpu.vector_load %arg8[%swap3A_52, %swap3A_53] {strides = array<i32>} : memref<128x64xf32, #tpu.memory_space<vmem>>, vector<1x16xf32>,
      %swap3A_55 = vector.shape_cast %swap3A_54 : vector<1x16xf32> to vector<16xf32>
      %swap3A_56 = vector.shape_cast %broadcast_in_dim3A_51 : vector<16xf32> to vector<1x16xf32>
      tpu.vector_store %arg8[%swap3A_52, %swap3A_53], %swap3A_56 {strides = array<i32>} : memref<128x64xf32, #tpu.memory_space<vmem>>, vector<1x16xf32>,
      %broadcast_in_dim3A_57 = arith.constant 0.000000e+00 : f32
      %broadcast_in_dim3A_58 = vector.broadcast %broadcast_in_dim3A_57 : f32 to vector<16xf32>
      %swap3A_59 = arith.index_cast %scan3A_43 : i32 to index
      %swap3A_60 = arith.constant 32 : index
      %swap3A_61 = tpu.vector_load %arg8[%swap3A_59, %swap3A_60] {strides = array<i32>} : memref<128x64xf32, #tpu.memory_space<vmem>>, vector<1x16xf32>,
      %swap3A_62 = vector.shape_cast %swap3A_61 : vector<1x16xf32> to vector<16xf32>
      %swap3A_63 = vector.shape_cast %broadcast_in_dim3A_58 : vector<16xf32> to vector<1x16xf32>
      tpu.vector_store %arg8[%swap3A_59, %swap3A_60], %swap3A_63 {strides = array<i32>} : memref<128x64xf32, #tpu.memory_space<vmem>>, vector<1x16xf32>,
      %broadcast_in_dim3A_64 = arith.constant 0.000000e+00 : f32
      %broadcast_in_dim3A_65 = vector.broadcast %broadcast_in_dim3A_64 : f32 to vector<16xf32>
      %swap3A_66 = arith.index_cast %scan3A_43 : i32 to index
      %swap3A_67 = arith.constant 48 : index
      %swap3A_68 = tpu.vector_load %arg8[%swap3A_66, %swap3A_67] {strides = array<i32>} : memref<128x64xf32, #tpu.memory_space<vmem>>, vector<1x16xf32>,
      %swap3A_69 = vector.shape_cast %swap3A_68 : vector<1x16xf32> to vector<16xf32>
      %swap3A_70 = vector.shape_cast %broadcast_in_dim3A_65 : vector<16xf32> to vector<1x16xf32>
      tpu.vector_store %arg8[%swap3A_66, %swap3A_67], %swap3A_70 {strides = array<i32>} : memref<128x64xf32, #tpu.memory_space<vmem>>, vector<1x16xf32>,
      %scan3A_71 = arith.constant 0 : i32
      scf.yield %scan3A_71 : i32
    }
    %scan3A_6 = arith.constant 128 : i32
    %mul3A_7 = arith.constant 640 : i32
    %mul3A_8 = arith.muli %arg1, %mul3A_7 : i32
    %add3A_9 = arith.constant 0 : i32
    %add3A_10 = arith.addi %mul3A_8, %add3A_9 : i32
    "tpu.region"() ({
      %run_scoped3A = tpu.sem_alloc : memref<!tpu.dma_semaphore, #tpu.memory_space<semaphore_mem>>
      %dma_start3A = arith.constant 0 : i32
      %dma_start3A_43 = tpu.memref_slice %arg9[%add3A_10, %dma_start3A] : memref<10240x64xf32, #tpu.memory_space<vmem_shared>> -> memref<128x64xf32, #tpu.memory_space<vmem_shared>>
      %dma_start3A_44 = arith.constant 0 : i32
      %dma_start3A_45 = tpu.memref_slice %arg9[%add3A_10, %dma_start3A_44] : memref<10240x64xf32, #tpu.memory_space<vmem_shared>> -> memref<128x64xf32, #tpu.memory_space<vmem_shared>>
      tpu.enqueue_dma source(%arg8 : memref<128x64xf32, #tpu.memory_space<vmem>>) target(%dma_start3A_45 : memref<128x64xf32, #tpu.memory_space<vmem_shared>>) target_semaphore(%run_scoped3A : memref<!tpu.dma_semaphore, #tpu.memory_space<semaphore_mem>>)
      %dma_wait3A = arith.constant 0 : i32
      %dma_wait3A_46 = tpu.memref_slice %arg9[%add3A_10, %dma_wait3A] : memref<10240x64xf32, #tpu.memory_space<vmem_shared>> -> memref<128x64xf32, #tpu.memory_space<vmem_shared>>
      %dma_wait3A_47 = arith.constant 0 : i32
      %dma_wait3A_48 = tpu.memref_slice %arg9[%add3A_10, %dma_wait3A_47] : memref<10240x64xf32, #tpu.memory_space<vmem_shared>> -> memref<128x64xf32, #tpu.memory_space<vmem_shared>>
      tpu.wait_dma2 semaphore(%run_scoped3A : memref<!tpu.dma_semaphore, #tpu.memory_space<semaphore_mem>>) src(%arg8 : memref<128x64xf32, #tpu.memory_space<vmem>>) dst(%dma_wait3A_48 : memref<128x64xf32, #tpu.memory_space<vmem_shared>>)
      tpu.yield
    }) : () -> ()
    %mul3A_11 = arith.constant 640 : i32
    %mul3A_12 = arith.muli %arg1, %mul3A_11 : i32
    %add3A_13 = arith.constant 128 : i32
    %add3A_14 = arith.addi %mul3A_12, %add3A_13 : i32
    "tpu.region"() ({
      %run_scoped3A = tpu.sem_alloc : memref<!tpu.dma_semaphore, #tpu.memory_space<semaphore_mem>>
      %dma_start3A = arith.constant 0 : i32
      %dma_start3A_43 = tpu.memref_slice %arg9[%add3A_14, %dma_start3A] : memref<10240x64xf32, #tpu.memory_space<vmem_shared>> -> memref<128x64xf32, #tpu.memory_space<vmem_shared>>
      %dma_start3A_44 = arith.constant 0 : i32
      %dma_start3A_45 = tpu.memref_slice %arg9[%add3A_14, %dma_start3A_44] : memref<10240x64xf32, #tpu.memory_space<vmem_shared>> -> memref<128x64xf32, #tpu.memory_space<vmem_shared>>
      tpu.enqueue_dma source(%arg8 : memref<128x64xf32, #tpu.memory_space<vmem>>) target(%dma_start3A_45 : memref<128x64xf32, #tpu.memory_space<vmem_shared>>) target_semaphore(%run_scoped3A : memref<!tpu.dma_semaphore, #tpu.memory_space<semaphore_mem>>)
      %dma_wait3A = arith.constant 0 : i32
      %dma_wait3A_46 = tpu.memref_slice %arg9[%add3A_14, %dma_wait3A] : memref<10240x64xf32, #tpu.memory_space<vmem_shared>> -> memref<128x64xf32, #tpu.memory_space<vmem_shared>>
      %dma_wait3A_47 = arith.constant 0 : i32
      %dma_wait3A_48 = tpu.memref_slice %arg9[%add3A_14, %dma_wait3A_47] : memref<10240x64xf32, #tpu.memory_space<vmem_shared>> -> memref<128x64xf32, #tpu.memory_space<vmem_shared>>
      tpu.wait_dma2 semaphore(%run_scoped3A : memref<!tpu.dma_semaphore, #tpu.memory_space<semaphore_mem>>) src(%arg8 : memref<128x64xf32, #tpu.memory_space<vmem>>) dst(%dma_wait3A_48 : memref<128x64xf32, #tpu.memory_space<vmem_shared>>)
      tpu.yield
    }) : () -> ()
    %mul3A_15 = arith.constant 640 : i32
    %mul3A_16 = arith.muli %arg1, %mul3A_15 : i32
    %add3A_17 = arith.constant 256 : i32
    %add3A_18 = arith.addi %mul3A_16, %add3A_17 : i32
    "tpu.region"() ({
      %run_scoped3A = tpu.sem_alloc : memref<!tpu.dma_semaphore, #tpu.memory_space<semaphore_mem>>
      %dma_start3A = arith.constant 0 : i32
      %dma_start3A_43 = tpu.memref_slice %arg9[%add3A_18, %dma_start3A] : memref<10240x64xf32, #tpu.memory_space<vmem_shared>> -> memref<128x64xf32, #tpu.memory_space<vmem_shared>>
      %dma_start3A_44 = arith.constant 0 : i32
      %dma_start3A_45 = tpu.memref_slice %arg9[%add3A_18, %dma_start3A_44] : memref<10240x64xf32, #tpu.memory_space<vmem_shared>> -> memref<128x64xf32, #tpu.memory_space<vmem_shared>>
      tpu.enqueue_dma source(%arg8 : memref<128x64xf32, #tpu.memory_space<vmem>>) target(%dma_start3A_45 : memref<128x64xf32, #tpu.memory_space<vmem_shared>>) target_semaphore(%run_scoped3A : memref<!tpu.dma_semaphore, #tpu.memory_space<semaphore_mem>>)
      %dma_wait3A = arith.constant 0 : i32
      %dma_wait3A_46 = tpu.memref_slice %arg9[%add3A_18, %dma_wait3A] : memref<10240x64xf32, #tpu.memory_space<vmem_shared>> -> memref<128x64xf32, #tpu.memory_space<vmem_shared>>
      %dma_wait3A_47 = arith.constant 0 : i32
      %dma_wait3A_48 = tpu.memref_slice %arg9[%add3A_18, %dma_wait3A_47] : memref<10240x64xf32, #tpu.memory_space<vmem_shared>> -> memref<128x64xf32, #tpu.memory_space<vmem_shared>>
      tpu.wait_dma2 semaphore(%run_scoped3A : memref<!tpu.dma_semaphore, #tpu.memory_space<semaphore_mem>>) src(%arg8 : memref<128x64xf32, #tpu.memory_space<vmem>>) dst(%dma_wait3A_48 : memref<128x64xf32, #tpu.memory_space<vmem_shared>>)
      tpu.yield
    }) : () -> ()
    %mul3A_19 = arith.constant 640 : i32
    %mul3A_20 = arith.muli %arg1, %mul3A_19 : i32
    %add3A_21 = arith.constant 384 : i32
    %add3A_22 = arith.addi %mul3A_20, %add3A_21 : i32
    "tpu.region"() ({
      %run_scoped3A = tpu.sem_alloc : memref<!tpu.dma_semaphore, #tpu.memory_space<semaphore_mem>>
      %dma_start3A = arith.constant 0 : i32
      %dma_start3A_43 = tpu.memref_slice %arg9[%add3A_22, %dma_start3A] : memref<10240x64xf32, #tpu.memory_space<vmem_shared>> -> memref<128x64xf32, #tpu.memory_space<vmem_shared>>
      %dma_start3A_44 = arith.constant 0 : i32
      %dma_start3A_45 = tpu.memref_slice %arg9[%add3A_22, %dma_start3A_44] : memref<10240x64xf32, #tpu.memory_space<vmem_shared>> -> memref<128x64xf32, #tpu.memory_space<vmem_shared>>
      tpu.enqueue_dma source(%arg8 : memref<128x64xf32, #tpu.memory_space<vmem>>) target(%dma_start3A_45 : memref<128x64xf32, #tpu.memory_space<vmem_shared>>) target_semaphore(%run_scoped3A : memref<!tpu.dma_semaphore, #tpu.memory_space<semaphore_mem>>)
      %dma_wait3A = arith.constant 0 : i32
      %dma_wait3A_46 = tpu.memref_slice %arg9[%add3A_22, %dma_wait3A] : memref<10240x64xf32, #tpu.memory_space<vmem_shared>> -> memref<128x64xf32, #tpu.memory_space<vmem_shared>>
      %dma_wait3A_47 = arith.constant 0 : i32
      %dma_wait3A_48 = tpu.memref_slice %arg9[%add3A_22, %dma_wait3A_47] : memref<10240x64xf32, #tpu.memory_space<vmem_shared>> -> memref<128x64xf32, #tpu.memory_space<vmem_shared>>
      tpu.wait_dma2 semaphore(%run_scoped3A : memref<!tpu.dma_semaphore, #tpu.memory_space<semaphore_mem>>) src(%arg8 : memref<128x64xf32, #tpu.memory_space<vmem>>) dst(%dma_wait3A_48 : memref<128x64xf32, #tpu.memory_space<vmem_shared>>)
      tpu.yield
    }) : () -> ()
    %mul3A_23 = arith.constant 640 : i32
    %mul3A_24 = arith.muli %arg1, %mul3A_23 : i32
    %add3A_25 = arith.constant 512 : i32
    %add3A_26 = arith.addi %mul3A_24, %add3A_25 : i32
    "tpu.region"() ({
      %run_scoped3A = tpu.sem_alloc : memref<!tpu.dma_semaphore, #tpu.memory_space<semaphore_mem>>
      %dma_start3A = arith.constant 0 : i32
      %dma_start3A_43 = tpu.memref_slice %arg9[%add3A_26, %dma_start3A] : memref<10240x64xf32, #tpu.memory_space<vmem_shared>> -> memref<128x64xf32, #tpu.memory_space<vmem_shared>>
      %dma_start3A_44 = arith.constant 0 : i32
      %dma_start3A_45 = tpu.memref_slice %arg9[%add3A_26, %dma_start3A_44] : memref<10240x64xf32, #tpu.memory_space<vmem_shared>> -> memref<128x64xf32, #tpu.memory_space<vmem_shared>>
      tpu.enqueue_dma source(%arg8 : memref<128x64xf32, #tpu.memory_space<vmem>>) target(%dma_start3A_45 : memref<128x64xf32, #tpu.memory_space<vmem_shared>>) target_semaphore(%run_scoped3A : memref<!tpu.dma_semaphore, #tpu.memory_space<semaphore_mem>>)
      %dma_wait3A = arith.constant 0 : i32
      %dma_wait3A_46 = tpu.memref_slice %arg9[%add3A_26, %dma_wait3A] : memref<10240x64xf32, #tpu.memory_space<vmem_shared>> -> memref<128x64xf32, #tpu.memory_space<vmem_shared>>
      %dma_wait3A_47 = arith.constant 0 : i32
      %dma_wait3A_48 = tpu.memref_slice %arg9[%add3A_26, %dma_wait3A_47] : memref<10240x64xf32, #tpu.memory_space<vmem_shared>> -> memref<128x64xf32, #tpu.memory_space<vmem_shared>>
      tpu.wait_dma2 semaphore(%run_scoped3A : memref<!tpu.dma_semaphore, #tpu.memory_space<semaphore_mem>>) src(%arg8 : memref<128x64xf32, #tpu.memory_space<vmem>>) dst(%dma_wait3A_48 : memref<128x64xf32, #tpu.memory_space<vmem_shared>>)
      tpu.yield
    }) : () -> ()
    %barrier3A = arith.constant 0 : index
    tpu.barrier barrier_id(%barrier3A)
    %mul3A_27 = arith.constant 80 : i32
    %mul3A_28 = arith.muli %add3A, %mul3A_27 : i32
    "tpu.region"() ({
      %run_scoped3A = tpu.sem_alloc : memref<!tpu.dma_semaphore, #tpu.memory_space<semaphore_mem>>
      %dma_start3A = arith.constant 0 : i32
      %dma_start3A_43 = tpu.memref_slice %arg2[%mul3A_28, %dma_start3A] : memref<2560x128xi32, #tpu.memory_space<hbm>> -> memref<80x128xi32, #tpu.memory_space<hbm>>
      %dma_start3A_44 = arith.constant 0 : i32
      %dma_start3A_45 = tpu.memref_slice %arg2[%mul3A_28, %dma_start3A_44] : memref<2560x128xi32, #tpu.memory_space<hbm>> -> memref<80x128xi32, #tpu.memory_space<hbm>>
      tpu.enqueue_dma source(%dma_start3A_45 : memref<80x128xi32, #tpu.memory_space<hbm>>) target(%arg6 : memref<80x128xi32, #tpu.memory_space<vmem>>) target_semaphore(%run_scoped3A : memref<!tpu.dma_semaphore, #tpu.memory_space<semaphore_mem>>)
      %dma_wait3A = arith.constant 0 : i32
      %dma_wait3A_46 = tpu.memref_slice %arg2[%mul3A_28, %dma_wait3A] : memref<2560x128xi32, #tpu.memory_space<hbm>> -> memref<80x128xi32, #tpu.memory_space<hbm>>
      %dma_wait3A_47 = arith.constant 0 : i32
      %dma_wait3A_48 = tpu.memref_slice %arg2[%mul3A_28, %dma_wait3A_47] : memref<2560x128xi32, #tpu.memory_space<hbm>> -> memref<80x128xi32, #tpu.memory_space<hbm>>
      tpu.wait_dma2 semaphore(%run_scoped3A : memref<!tpu.dma_semaphore, #tpu.memory_space<semaphore_mem>>) src(%dma_wait3A_48 : memref<80x128xi32, #tpu.memory_space<hbm>>) dst(%arg6 : memref<80x128xi32, #tpu.memory_space<vmem>>)
      tpu.yield
    }) : () -> ()
    %mul3A_29 = arith.constant 80 : i32
    %mul3A_30 = arith.muli %add3A, %mul3A_29 : i32
    "tpu.region"() ({
      %run_scoped3A = tpu.sem_alloc : memref<!tpu.dma_semaphore, #tpu.memory_space<semaphore_mem>>
      %dma_start3A = arith.constant 0 : i32
      %dma_start3A_43 = tpu.memref_slice %arg3[%mul3A_30, %dma_start3A] : memref<2560x128xi32, #tpu.memory_space<hbm>> -> memref<80x128xi32, #tpu.memory_space<hbm>>
      %dma_start3A_44 = arith.constant 0 : i32
      %dma_start3A_45 = tpu.memref_slice %arg3[%mul3A_30, %dma_start3A_44] : memref<2560x128xi32, #tpu.memory_space<hbm>> -> memref<80x128xi32, #tpu.memory_space<hbm>>
      tpu.enqueue_dma source(%dma_start3A_45 : memref<80x128xi32, #tpu.memory_space<hbm>>) target(%arg7 : memref<80x128xi32, #tpu.memory_space<vmem>>) target_semaphore(%run_scoped3A : memref<!tpu.dma_semaphore, #tpu.memory_space<semaphore_mem>>)
      %dma_wait3A = arith.constant 0 : i32
      %dma_wait3A_46 = tpu.memref_slice %arg3[%mul3A_30, %dma_wait3A] : memref<2560x128xi32, #tpu.memory_space<hbm>> -> memref<80x128xi32, #tpu.memory_space<hbm>>
      %dma_wait3A_47 = arith.constant 0 : i32
      %dma_wait3A_48 = tpu.memref_slice %arg3[%mul3A_30, %dma_wait3A_47] : memref<2560x128xi32, #tpu.memory_space<hbm>> -> memref<80x128xi32, #tpu.memory_space<hbm>>
      tpu.wait_dma2 semaphore(%run_scoped3A : memref<!tpu.dma_semaphore, #tpu.memory_space<semaphore_mem>>) src(%dma_wait3A_48 : memref<80x128xi32, #tpu.memory_space<hbm>>) dst(%arg7 : memref<80x128xi32, #tpu.memory_space<vmem>>)
      tpu.yield
    }) : () -> ()
    %scan3A_31 = arith.constant 0 : i32
    %scan3A_32 = arith.constant 0 : i32
    %scan3A_33 = arith.constant 80 : i32
    %scan3A_34 = arith.addi %scan3A_32, %scan3A_33 : i32
    %scan3A_35 = arith.constant 1 : i32
    %scan3A_36 = scf.for %scan3A_43 = %scan3A_32 to %scan3A_34 step %scan3A_35 iter_args(%scan3A_44 = %scan3A_31) -> (i32)  : i32 {
      %dma_start3A = arith.constant 0 : i32
      %dma_start3A_45 = tpu.memref_slice %arg6[%scan3A_43, %dma_start3A] : memref<80x128xi32, #tpu.memory_space<vmem>> -> memref<1x128xi32, #tpu.memory_space<vmem>>
      %dma_start3A_46 = tpu.memref_squeeze %dma_start3A_45 : memref<1x128xi32, #tpu.memory_space<vmem>> -> memref<128xi32, #tpu.memory_space<vmem>>
      %dma_start3A_47 = arith.constant 0 : i32
      %dma_start3A_48 = arith.constant 0 : i32
      %dma_start3A_49 = tpu.memref_slice %arg4[%dma_start3A_47, %dma_start3A_48] : memref<10240x64xf32, #tpu.memory_space<hbm>> -> memref<10240x64xf32, #tpu.memory_space<hbm>>
      tpu.enqueue_indirect_dma source(%dma_start3A_49 : memref<10240x64xf32, #tpu.memory_space<hbm>>) target(%arg8 : memref<128x64xf32, #tpu.memory_space<vmem>>) offsets(%dma_start3A_46 : memref<128xi32, #tpu.memory_space<vmem>>) semaphore(%arg10 : memref<!tpu.dma_semaphore, #tpu.memory_space<semaphore_mem>>)
      %dma_wait3A = arith.constant 0 : i32
      %dma_wait3A_50 = tpu.memref_slice %arg6[%scan3A_43, %dma_wait3A] : memref<80x128xi32, #tpu.memory_space<vmem>> -> memref<1x128xi32, #tpu.memory_space<vmem>>
      %dma_wait3A_51 = tpu.memref_squeeze %dma_wait3A_50 : memref<1x128xi32, #tpu.memory_space<vmem>> -> memref<128xi32, #tpu.memory_space<vmem>>
      %dma_wait3A_52 = arith.constant 0 : i32
      %dma_wait3A_53 = arith.constant 0 : i32
      %dma_wait3A_54 = tpu.memref_slice %arg4[%dma_wait3A_52, %dma_wait3A_53] : memref<10240x64xf32, #tpu.memory_space<hbm>> -> memref<10240x64xf32, #tpu.memory_space<hbm>>
      tpu.wait_indirect_dma semaphore(%arg10 : memref<!tpu.dma_semaphore, #tpu.memory_space<semaphore_mem>>) src(%dma_wait3A_54 : memref<10240x64xf32, #tpu.memory_space<hbm>>) dst(%arg8 : memref<128x64xf32, #tpu.memory_space<vmem>>)
      "tpu.region"() ({
        %run_scoped3A = tpu.sem_alloc : memref<!tpu.dma_semaphore, #tpu.memory_space<semaphore_mem>>
        %dma_start3A_56 = arith.constant 0 : i32
        %dma_start3A_57 = tpu.memref_slice %arg7[%scan3A_43, %dma_start3A_56] : memref<80x128xi32, #tpu.memory_space<vmem>> -> memref<1x128xi32, #tpu.memory_space<vmem>>
        %dma_start3A_58 = tpu.memref_squeeze %dma_start3A_57 : memref<1x128xi32, #tpu.memory_space<vmem>> -> memref<128xi32, #tpu.memory_space<vmem>>
        %dma_start3A_59 = arith.constant 0 : i32
        %dma_start3A_60 = arith.constant 0 : i32
        %dma_start3A_61 = tpu.memref_slice %arg9[%dma_start3A_59, %dma_start3A_60] : memref<10240x64xf32, #tpu.memory_space<vmem_shared>> -> memref<10240x64xf32, #tpu.memory_space<vmem_shared>>
        tpu.enqueue_indirect_dma source(%arg8 : memref<128x64xf32, #tpu.memory_space<vmem>>) target(%dma_start3A_61 : memref<10240x64xf32, #tpu.memory_space<vmem_shared>>) offsets(%dma_start3A_58 : memref<128xi32, #tpu.memory_space<vmem>>) semaphore(%run_scoped3A : memref<!tpu.dma_semaphore, #tpu.memory_space<semaphore_mem>>) {add = true}
        %dma_wait3A_62 = arith.constant 0 : i32
        %dma_wait3A_63 = tpu.memref_slice %arg7[%scan3A_43, %dma_wait3A_62] : memref<80x128xi32, #tpu.memory_space<vmem>> -> memref<1x128xi32, #tpu.memory_space<vmem>>
        %dma_wait3A_64 = tpu.memref_squeeze %dma_wait3A_63 : memref<1x128xi32, #tpu.memory_space<vmem>> -> memref<128xi32, #tpu.memory_space<vmem>>
        %dma_wait3A_65 = arith.constant 0 : i32
        %dma_wait3A_66 = arith.constant 0 : i32
        %dma_wait3A_67 = tpu.memref_slice %arg9[%dma_wait3A_65, %dma_wait3A_66] : memref<10240x64xf32, #tpu.memory_space<vmem_shared>> -> memref<10240x64xf32, #tpu.memory_space<vmem_shared>>
        tpu.wait_indirect_dma semaphore(%run_scoped3A : memref<!tpu.dma_semaphore, #tpu.memory_space<semaphore_mem>>) src(%arg8 : memref<128x64xf32, #tpu.memory_space<vmem>>) dst(%dma_wait3A_67 : memref<10240x64xf32, #tpu.memory_space<vmem_shared>>)
        tpu.yield
      }) : () -> ()
      %scan3A_55 = arith.constant 0 : i32
      scf.yield %scan3A_55 : i32
    }
    %scan3A_37 = arith.constant 80 : i32
    %barrier3A_38 = arith.constant 0 : index
    tpu.barrier barrier_id(%barrier3A_38)
    %mul3A_39 = arith.constant 640 : i32
    %mul3A_40 = arith.muli %arg1, %mul3A_39 : i32
    %mul3A_41 = arith.constant 640 : i32
    %mul3A_42 = arith.muli %arg1, %mul3A_41 : i32
    "tpu.region"() ({
      %run_scoped3A = tpu.sem_alloc : memref<!tpu.dma_semaphore, #tpu.memory_space<semaphore_mem>>
      %dma_start3A = arith.constant 0 : i32
      %dma_start3A_43 = tpu.memref_slice %arg5[%arg0, %mul3A_42, %dma_start3A] : memref<2x10240x64xf32, #tpu.memory_space<hbm>> -> memref<1x640x64xf32, #tpu.memory_space<hbm>>
      %dma_start3A_44 = tpu.memref_squeeze %dma_start3A_43 : memref<1x640x64xf32, #tpu.memory_space<hbm>> -> memref<640x64xf32, #tpu.memory_space<hbm>>
      %dma_start3A_45 = arith.constant 0 : i32
      %dma_start3A_46 = tpu.memref_slice %arg9[%mul3A_40, %dma_start3A_45] : memref<10240x64xf32, #tpu.memory_space<vmem_shared>> -> memref<640x64xf32, #tpu.memory_space<vmem_shared>>
      tpu.enqueue_dma source(%dma_start3A_46 : memref<640x64xf32, #tpu.memory_space<vmem_shared>>) target(%dma_start3A_44 : memref<640x64xf32, #tpu.memory_space<hbm>>) target_semaphore(%run_scoped3A : memref<!tpu.dma_semaphore, #tpu.memory_space<semaphore_mem>>)
      %dma_wait3A = arith.constant 0 : i32
      %dma_wait3A_47 = tpu.memref_slice %arg5[%arg0, %mul3A_42, %dma_wait3A] : memref<2x10240x64xf32, #tpu.memory_space<hbm>> -> memref<1x640x64xf32, #tpu.memory_space<hbm>>
      %dma_wait3A_48 = tpu.memref_squeeze %dma_wait3A_47 : memref<1x640x64xf32, #tpu.memory_space<hbm>> -> memref<640x64xf32, #tpu.memory_space<hbm>>
      %dma_wait3A_49 = arith.constant 0 : i32
      %dma_wait3A_50 = tpu.memref_slice %arg9[%mul3A_40, %dma_wait3A_49] : memref<10240x64xf32, #tpu.memory_space<vmem_shared>> -> memref<640x64xf32, #tpu.memory_space<vmem_shared>>
      tpu.wait_dma2 semaphore(%run_scoped3A : memref<!tpu.dma_semaphore, #tpu.memory_space<semaphore_mem>>) src(%dma_wait3A_50 : memref<640x64xf32, #tpu.memory_space<vmem_shared>>) dst(%dma_wait3A_48 : memref<640x64xf32, #tpu.memory_space<hbm>>)
      tpu.yield
    }) : () -> ()
    return
  }
}

#map = affine_map<(d0, d1) -> (0, 0)>
#map1 = affine_map<(d0, d1) -> (0, 0, 0)>
module attributes {stable_mosaic.version = 14 : i64} {
  func.func @_sc_agg_body(%arg0: i32, %arg1: i32, %arg2: memref<2560x128xi32, #tpu.memory_space<hbm>>, %arg3: memref<2560x128xi32, #tpu.memory_space<hbm>>, %arg4: memref<10240x128xf32, #tpu.memory_space<hbm>>, %arg5: memref<2x10240x128xf32, #tpu.memory_space<hbm>>, %arg6: memref<80x128xi32, #tpu.memory_space<vmem>>, %arg7: memref<80x128xi32, #tpu.memory_space<vmem>>, %arg8: memref<128x128xf32, #tpu.memory_space<vmem>>, %arg9: memref<10240x128xf32, #tpu.memory_space<vmem_shared>>, %arg10: memref<!tpu.dma_semaphore, #tpu.memory_space<semaphore_mem>>) attributes {dimension_semantics = [#tpu.dimension_semantics<core_parallel>, #tpu.dimension_semantics<subcore_parallel>], iteration_bounds = array<i64: 2, 16>, scalar_prefetch = 0 : i64, scratch_operands = 5 : i64, tpu.core_type = #tpu.core_type<sc_vector_subcore>, window_params = [{transform_indices = #map}, {transform_indices = #map}, {transform_indices = #map}, {transform_indices = #map1}]} {
    %mul3A = arith.constant 2 : i32
    %mul3A_0 = arith.muli %arg1, %mul3A : i32
    %add3A = arith.addi %mul3A_0, %arg0 : i32
    %scan3A = arith.constant 0 : i32
    %scan3A_1 = arith.constant 0 : i32
    %scan3A_2 = arith.constant 128 : i32
    %scan3A_3 = arith.addi %scan3A_1, %scan3A_2 : i32
    %scan3A_4 = arith.constant 1 : i32
    %scan3A_5 = scf.for %scan3A_43 = %scan3A_1 to %scan3A_3 step %scan3A_4 iter_args(%scan3A_44 = %scan3A) -> (i32)  : i32 {
      %broadcast_in_dim3A = arith.constant 0.000000e+00 : f32
      %broadcast_in_dim3A_45 = vector.broadcast %broadcast_in_dim3A : f32 to vector<16xf32>
      %swap3A = arith.index_cast %scan3A_43 : i32 to index
      %swap3A_46 = arith.constant 0 : index
      %swap3A_47 = tpu.vector_load %arg8[%swap3A, %swap3A_46] {strides = array<i32>} : memref<128x128xf32, #tpu.memory_space<vmem>>, vector<1x16xf32>,
      %swap3A_48 = vector.shape_cast %swap3A_47 : vector<1x16xf32> to vector<16xf32>
      %swap3A_49 = vector.shape_cast %broadcast_in_dim3A_45 : vector<16xf32> to vector<1x16xf32>
      tpu.vector_store %arg8[%swap3A, %swap3A_46], %swap3A_49 {strides = array<i32>} : memref<128x128xf32, #tpu.memory_space<vmem>>, vector<1x16xf32>,
      %broadcast_in_dim3A_50 = arith.constant 0.000000e+00 : f32
      %broadcast_in_dim3A_51 = vector.broadcast %broadcast_in_dim3A_50 : f32 to vector<16xf32>
      %swap3A_52 = arith.index_cast %scan3A_43 : i32 to index
      %swap3A_53 = arith.constant 16 : index
      %swap3A_54 = tpu.vector_load %arg8[%swap3A_52, %swap3A_53] {strides = array<i32>} : memref<128x128xf32, #tpu.memory_space<vmem>>, vector<1x16xf32>,
      %swap3A_55 = vector.shape_cast %swap3A_54 : vector<1x16xf32> to vector<16xf32>
      %swap3A_56 = vector.shape_cast %broadcast_in_dim3A_51 : vector<16xf32> to vector<1x16xf32>
      tpu.vector_store %arg8[%swap3A_52, %swap3A_53], %swap3A_56 {strides = array<i32>} : memref<128x128xf32, #tpu.memory_space<vmem>>, vector<1x16xf32>,
      %broadcast_in_dim3A_57 = arith.constant 0.000000e+00 : f32
      %broadcast_in_dim3A_58 = vector.broadcast %broadcast_in_dim3A_57 : f32 to vector<16xf32>
      %swap3A_59 = arith.index_cast %scan3A_43 : i32 to index
      %swap3A_60 = arith.constant 32 : index
      %swap3A_61 = tpu.vector_load %arg8[%swap3A_59, %swap3A_60] {strides = array<i32>} : memref<128x128xf32, #tpu.memory_space<vmem>>, vector<1x16xf32>,
      %swap3A_62 = vector.shape_cast %swap3A_61 : vector<1x16xf32> to vector<16xf32>
      %swap3A_63 = vector.shape_cast %broadcast_in_dim3A_58 : vector<16xf32> to vector<1x16xf32>
      tpu.vector_store %arg8[%swap3A_59, %swap3A_60], %swap3A_63 {strides = array<i32>} : memref<128x128xf32, #tpu.memory_space<vmem>>, vector<1x16xf32>,
      %broadcast_in_dim3A_64 = arith.constant 0.000000e+00 : f32
      %broadcast_in_dim3A_65 = vector.broadcast %broadcast_in_dim3A_64 : f32 to vector<16xf32>
      %swap3A_66 = arith.index_cast %scan3A_43 : i32 to index
      %swap3A_67 = arith.constant 48 : index
      %swap3A_68 = tpu.vector_load %arg8[%swap3A_66, %swap3A_67] {strides = array<i32>} : memref<128x128xf32, #tpu.memory_space<vmem>>, vector<1x16xf32>,
      %swap3A_69 = vector.shape_cast %swap3A_68 : vector<1x16xf32> to vector<16xf32>
      %swap3A_70 = vector.shape_cast %broadcast_in_dim3A_65 : vector<16xf32> to vector<1x16xf32>
      tpu.vector_store %arg8[%swap3A_66, %swap3A_67], %swap3A_70 {strides = array<i32>} : memref<128x128xf32, #tpu.memory_space<vmem>>, vector<1x16xf32>,
      %broadcast_in_dim3A_71 = arith.constant 0.000000e+00 : f32
      %broadcast_in_dim3A_72 = vector.broadcast %broadcast_in_dim3A_71 : f32 to vector<16xf32>
      %swap3A_73 = arith.index_cast %scan3A_43 : i32 to index
      %swap3A_74 = arith.constant 64 : index
      %swap3A_75 = tpu.vector_load %arg8[%swap3A_73, %swap3A_74] {strides = array<i32>} : memref<128x128xf32, #tpu.memory_space<vmem>>, vector<1x16xf32>,
      %swap3A_76 = vector.shape_cast %swap3A_75 : vector<1x16xf32> to vector<16xf32>
      %swap3A_77 = vector.shape_cast %broadcast_in_dim3A_72 : vector<16xf32> to vector<1x16xf32>
      tpu.vector_store %arg8[%swap3A_73, %swap3A_74], %swap3A_77 {strides = array<i32>} : memref<128x128xf32, #tpu.memory_space<vmem>>, vector<1x16xf32>,
      %broadcast_in_dim3A_78 = arith.constant 0.000000e+00 : f32
      %broadcast_in_dim3A_79 = vector.broadcast %broadcast_in_dim3A_78 : f32 to vector<16xf32>
      %swap3A_80 = arith.index_cast %scan3A_43 : i32 to index
      %swap3A_81 = arith.constant 80 : index
      %swap3A_82 = tpu.vector_load %arg8[%swap3A_80, %swap3A_81] {strides = array<i32>} : memref<128x128xf32, #tpu.memory_space<vmem>>, vector<1x16xf32>,
      %swap3A_83 = vector.shape_cast %swap3A_82 : vector<1x16xf32> to vector<16xf32>
      %swap3A_84 = vector.shape_cast %broadcast_in_dim3A_79 : vector<16xf32> to vector<1x16xf32>
      tpu.vector_store %arg8[%swap3A_80, %swap3A_81], %swap3A_84 {strides = array<i32>} : memref<128x128xf32, #tpu.memory_space<vmem>>, vector<1x16xf32>,
      %broadcast_in_dim3A_85 = arith.constant 0.000000e+00 : f32
      %broadcast_in_dim3A_86 = vector.broadcast %broadcast_in_dim3A_85 : f32 to vector<16xf32>
      %swap3A_87 = arith.index_cast %scan3A_43 : i32 to index
      %swap3A_88 = arith.constant 96 : index
      %swap3A_89 = tpu.vector_load %arg8[%swap3A_87, %swap3A_88] {strides = array<i32>} : memref<128x128xf32, #tpu.memory_space<vmem>>, vector<1x16xf32>,
      %swap3A_90 = vector.shape_cast %swap3A_89 : vector<1x16xf32> to vector<16xf32>
      %swap3A_91 = vector.shape_cast %broadcast_in_dim3A_86 : vector<16xf32> to vector<1x16xf32>
      tpu.vector_store %arg8[%swap3A_87, %swap3A_88], %swap3A_91 {strides = array<i32>} : memref<128x128xf32, #tpu.memory_space<vmem>>, vector<1x16xf32>,
      %broadcast_in_dim3A_92 = arith.constant 0.000000e+00 : f32
      %broadcast_in_dim3A_93 = vector.broadcast %broadcast_in_dim3A_92 : f32 to vector<16xf32>
      %swap3A_94 = arith.index_cast %scan3A_43 : i32 to index
      %swap3A_95 = arith.constant 112 : index
      %swap3A_96 = tpu.vector_load %arg8[%swap3A_94, %swap3A_95] {strides = array<i32>} : memref<128x128xf32, #tpu.memory_space<vmem>>, vector<1x16xf32>,
      %swap3A_97 = vector.shape_cast %swap3A_96 : vector<1x16xf32> to vector<16xf32>
      %swap3A_98 = vector.shape_cast %broadcast_in_dim3A_93 : vector<16xf32> to vector<1x16xf32>
      tpu.vector_store %arg8[%swap3A_94, %swap3A_95], %swap3A_98 {strides = array<i32>} : memref<128x128xf32, #tpu.memory_space<vmem>>, vector<1x16xf32>,
      %scan3A_99 = arith.constant 0 : i32
      scf.yield %scan3A_99 : i32
    }
    %scan3A_6 = arith.constant 128 : i32
    %mul3A_7 = arith.constant 640 : i32
    %mul3A_8 = arith.muli %arg1, %mul3A_7 : i32
    %add3A_9 = arith.constant 0 : i32
    %add3A_10 = arith.addi %mul3A_8, %add3A_9 : i32
    "tpu.region"() ({
      %run_scoped3A = tpu.sem_alloc : memref<!tpu.dma_semaphore, #tpu.memory_space<semaphore_mem>>
      %dma_start3A = arith.constant 0 : i32
      %dma_start3A_43 = tpu.memref_slice %arg9[%add3A_10, %dma_start3A] : memref<10240x128xf32, #tpu.memory_space<vmem_shared>> -> memref<128x128xf32, #tpu.memory_space<vmem_shared>>
      %dma_start3A_44 = arith.constant 0 : i32
      %dma_start3A_45 = tpu.memref_slice %arg9[%add3A_10, %dma_start3A_44] : memref<10240x128xf32, #tpu.memory_space<vmem_shared>> -> memref<128x128xf32, #tpu.memory_space<vmem_shared>>
      tpu.enqueue_dma source(%arg8 : memref<128x128xf32, #tpu.memory_space<vmem>>) target(%dma_start3A_45 : memref<128x128xf32, #tpu.memory_space<vmem_shared>>) target_semaphore(%run_scoped3A : memref<!tpu.dma_semaphore, #tpu.memory_space<semaphore_mem>>)
      %dma_wait3A = arith.constant 0 : i32
      %dma_wait3A_46 = tpu.memref_slice %arg9[%add3A_10, %dma_wait3A] : memref<10240x128xf32, #tpu.memory_space<vmem_shared>> -> memref<128x128xf32, #tpu.memory_space<vmem_shared>>
      %dma_wait3A_47 = arith.constant 0 : i32
      %dma_wait3A_48 = tpu.memref_slice %arg9[%add3A_10, %dma_wait3A_47] : memref<10240x128xf32, #tpu.memory_space<vmem_shared>> -> memref<128x128xf32, #tpu.memory_space<vmem_shared>>
      tpu.wait_dma2 semaphore(%run_scoped3A : memref<!tpu.dma_semaphore, #tpu.memory_space<semaphore_mem>>) src(%arg8 : memref<128x128xf32, #tpu.memory_space<vmem>>) dst(%dma_wait3A_48 : memref<128x128xf32, #tpu.memory_space<vmem_shared>>)
      tpu.yield
    }) : () -> ()
    %mul3A_11 = arith.constant 640 : i32
    %mul3A_12 = arith.muli %arg1, %mul3A_11 : i32
    %add3A_13 = arith.constant 128 : i32
    %add3A_14 = arith.addi %mul3A_12, %add3A_13 : i32
    "tpu.region"() ({
      %run_scoped3A = tpu.sem_alloc : memref<!tpu.dma_semaphore, #tpu.memory_space<semaphore_mem>>
      %dma_start3A = arith.constant 0 : i32
      %dma_start3A_43 = tpu.memref_slice %arg9[%add3A_14, %dma_start3A] : memref<10240x128xf32, #tpu.memory_space<vmem_shared>> -> memref<128x128xf32, #tpu.memory_space<vmem_shared>>
      %dma_start3A_44 = arith.constant 0 : i32
      %dma_start3A_45 = tpu.memref_slice %arg9[%add3A_14, %dma_start3A_44] : memref<10240x128xf32, #tpu.memory_space<vmem_shared>> -> memref<128x128xf32, #tpu.memory_space<vmem_shared>>
      tpu.enqueue_dma source(%arg8 : memref<128x128xf32, #tpu.memory_space<vmem>>) target(%dma_start3A_45 : memref<128x128xf32, #tpu.memory_space<vmem_shared>>) target_semaphore(%run_scoped3A : memref<!tpu.dma_semaphore, #tpu.memory_space<semaphore_mem>>)
      %dma_wait3A = arith.constant 0 : i32
      %dma_wait3A_46 = tpu.memref_slice %arg9[%add3A_14, %dma_wait3A] : memref<10240x128xf32, #tpu.memory_space<vmem_shared>> -> memref<128x128xf32, #tpu.memory_space<vmem_shared>>
      %dma_wait3A_47 = arith.constant 0 : i32
      %dma_wait3A_48 = tpu.memref_slice %arg9[%add3A_14, %dma_wait3A_47] : memref<10240x128xf32, #tpu.memory_space<vmem_shared>> -> memref<128x128xf32, #tpu.memory_space<vmem_shared>>
      tpu.wait_dma2 semaphore(%run_scoped3A : memref<!tpu.dma_semaphore, #tpu.memory_space<semaphore_mem>>) src(%arg8 : memref<128x128xf32, #tpu.memory_space<vmem>>) dst(%dma_wait3A_48 : memref<128x128xf32, #tpu.memory_space<vmem_shared>>)
      tpu.yield
    }) : () -> ()
    %mul3A_15 = arith.constant 640 : i32
    %mul3A_16 = arith.muli %arg1, %mul3A_15 : i32
    %add3A_17 = arith.constant 256 : i32
    %add3A_18 = arith.addi %mul3A_16, %add3A_17 : i32
    "tpu.region"() ({
      %run_scoped3A = tpu.sem_alloc : memref<!tpu.dma_semaphore, #tpu.memory_space<semaphore_mem>>
      %dma_start3A = arith.constant 0 : i32
      %dma_start3A_43 = tpu.memref_slice %arg9[%add3A_18, %dma_start3A] : memref<10240x128xf32, #tpu.memory_space<vmem_shared>> -> memref<128x128xf32, #tpu.memory_space<vmem_shared>>
      %dma_start3A_44 = arith.constant 0 : i32
      %dma_start3A_45 = tpu.memref_slice %arg9[%add3A_18, %dma_start3A_44] : memref<10240x128xf32, #tpu.memory_space<vmem_shared>> -> memref<128x128xf32, #tpu.memory_space<vmem_shared>>
      tpu.enqueue_dma source(%arg8 : memref<128x128xf32, #tpu.memory_space<vmem>>) target(%dma_start3A_45 : memref<128x128xf32, #tpu.memory_space<vmem_shared>>) target_semaphore(%run_scoped3A : memref<!tpu.dma_semaphore, #tpu.memory_space<semaphore_mem>>)
      %dma_wait3A = arith.constant 0 : i32
      %dma_wait3A_46 = tpu.memref_slice %arg9[%add3A_18, %dma_wait3A] : memref<10240x128xf32, #tpu.memory_space<vmem_shared>> -> memref<128x128xf32, #tpu.memory_space<vmem_shared>>
      %dma_wait3A_47 = arith.constant 0 : i32
      %dma_wait3A_48 = tpu.memref_slice %arg9[%add3A_18, %dma_wait3A_47] : memref<10240x128xf32, #tpu.memory_space<vmem_shared>> -> memref<128x128xf32, #tpu.memory_space<vmem_shared>>
      tpu.wait_dma2 semaphore(%run_scoped3A : memref<!tpu.dma_semaphore, #tpu.memory_space<semaphore_mem>>) src(%arg8 : memref<128x128xf32, #tpu.memory_space<vmem>>) dst(%dma_wait3A_48 : memref<128x128xf32, #tpu.memory_space<vmem_shared>>)
      tpu.yield
    }) : () -> ()
    %mul3A_19 = arith.constant 640 : i32
    %mul3A_20 = arith.muli %arg1, %mul3A_19 : i32
    %add3A_21 = arith.constant 384 : i32
    %add3A_22 = arith.addi %mul3A_20, %add3A_21 : i32
    "tpu.region"() ({
      %run_scoped3A = tpu.sem_alloc : memref<!tpu.dma_semaphore, #tpu.memory_space<semaphore_mem>>
      %dma_start3A = arith.constant 0 : i32
      %dma_start3A_43 = tpu.memref_slice %arg9[%add3A_22, %dma_start3A] : memref<10240x128xf32, #tpu.memory_space<vmem_shared>> -> memref<128x128xf32, #tpu.memory_space<vmem_shared>>
      %dma_start3A_44 = arith.constant 0 : i32
      %dma_start3A_45 = tpu.memref_slice %arg9[%add3A_22, %dma_start3A_44] : memref<10240x128xf32, #tpu.memory_space<vmem_shared>> -> memref<128x128xf32, #tpu.memory_space<vmem_shared>>
      tpu.enqueue_dma source(%arg8 : memref<128x128xf32, #tpu.memory_space<vmem>>) target(%dma_start3A_45 : memref<128x128xf32, #tpu.memory_space<vmem_shared>>) target_semaphore(%run_scoped3A : memref<!tpu.dma_semaphore, #tpu.memory_space<semaphore_mem>>)
      %dma_wait3A = arith.constant 0 : i32
      %dma_wait3A_46 = tpu.memref_slice %arg9[%add3A_22, %dma_wait3A] : memref<10240x128xf32, #tpu.memory_space<vmem_shared>> -> memref<128x128xf32, #tpu.memory_space<vmem_shared>>
      %dma_wait3A_47 = arith.constant 0 : i32
      %dma_wait3A_48 = tpu.memref_slice %arg9[%add3A_22, %dma_wait3A_47] : memref<10240x128xf32, #tpu.memory_space<vmem_shared>> -> memref<128x128xf32, #tpu.memory_space<vmem_shared>>
      tpu.wait_dma2 semaphore(%run_scoped3A : memref<!tpu.dma_semaphore, #tpu.memory_space<semaphore_mem>>) src(%arg8 : memref<128x128xf32, #tpu.memory_space<vmem>>) dst(%dma_wait3A_48 : memref<128x128xf32, #tpu.memory_space<vmem_shared>>)
      tpu.yield
    }) : () -> ()
    %mul3A_23 = arith.constant 640 : i32
    %mul3A_24 = arith.muli %arg1, %mul3A_23 : i32
    %add3A_25 = arith.constant 512 : i32
    %add3A_26 = arith.addi %mul3A_24, %add3A_25 : i32
    "tpu.region"() ({
      %run_scoped3A = tpu.sem_alloc : memref<!tpu.dma_semaphore, #tpu.memory_space<semaphore_mem>>
      %dma_start3A = arith.constant 0 : i32
      %dma_start3A_43 = tpu.memref_slice %arg9[%add3A_26, %dma_start3A] : memref<10240x128xf32, #tpu.memory_space<vmem_shared>> -> memref<128x128xf32, #tpu.memory_space<vmem_shared>>
      %dma_start3A_44 = arith.constant 0 : i32
      %dma_start3A_45 = tpu.memref_slice %arg9[%add3A_26, %dma_start3A_44] : memref<10240x128xf32, #tpu.memory_space<vmem_shared>> -> memref<128x128xf32, #tpu.memory_space<vmem_shared>>
      tpu.enqueue_dma source(%arg8 : memref<128x128xf32, #tpu.memory_space<vmem>>) target(%dma_start3A_45 : memref<128x128xf32, #tpu.memory_space<vmem_shared>>) target_semaphore(%run_scoped3A : memref<!tpu.dma_semaphore, #tpu.memory_space<semaphore_mem>>)
      %dma_wait3A = arith.constant 0 : i32
      %dma_wait3A_46 = tpu.memref_slice %arg9[%add3A_26, %dma_wait3A] : memref<10240x128xf32, #tpu.memory_space<vmem_shared>> -> memref<128x128xf32, #tpu.memory_space<vmem_shared>>
      %dma_wait3A_47 = arith.constant 0 : i32
      %dma_wait3A_48 = tpu.memref_slice %arg9[%add3A_26, %dma_wait3A_47] : memref<10240x128xf32, #tpu.memory_space<vmem_shared>> -> memref<128x128xf32, #tpu.memory_space<vmem_shared>>
      tpu.wait_dma2 semaphore(%run_scoped3A : memref<!tpu.dma_semaphore, #tpu.memory_space<semaphore_mem>>) src(%arg8 : memref<128x128xf32, #tpu.memory_space<vmem>>) dst(%dma_wait3A_48 : memref<128x128xf32, #tpu.memory_space<vmem_shared>>)
      tpu.yield
    }) : () -> ()
    %barrier3A = arith.constant 0 : index
    tpu.barrier barrier_id(%barrier3A)
    %mul3A_27 = arith.constant 80 : i32
    %mul3A_28 = arith.muli %add3A, %mul3A_27 : i32
    "tpu.region"() ({
      %run_scoped3A = tpu.sem_alloc : memref<!tpu.dma_semaphore, #tpu.memory_space<semaphore_mem>>
      %dma_start3A = arith.constant 0 : i32
      %dma_start3A_43 = tpu.memref_slice %arg2[%mul3A_28, %dma_start3A] : memref<2560x128xi32, #tpu.memory_space<hbm>> -> memref<80x128xi32, #tpu.memory_space<hbm>>
      %dma_start3A_44 = arith.constant 0 : i32
      %dma_start3A_45 = tpu.memref_slice %arg2[%mul3A_28, %dma_start3A_44] : memref<2560x128xi32, #tpu.memory_space<hbm>> -> memref<80x128xi32, #tpu.memory_space<hbm>>
      tpu.enqueue_dma source(%dma_start3A_45 : memref<80x128xi32, #tpu.memory_space<hbm>>) target(%arg6 : memref<80x128xi32, #tpu.memory_space<vmem>>) target_semaphore(%run_scoped3A : memref<!tpu.dma_semaphore, #tpu.memory_space<semaphore_mem>>)
      %dma_wait3A = arith.constant 0 : i32
      %dma_wait3A_46 = tpu.memref_slice %arg2[%mul3A_28, %dma_wait3A] : memref<2560x128xi32, #tpu.memory_space<hbm>> -> memref<80x128xi32, #tpu.memory_space<hbm>>
      %dma_wait3A_47 = arith.constant 0 : i32
      %dma_wait3A_48 = tpu.memref_slice %arg2[%mul3A_28, %dma_wait3A_47] : memref<2560x128xi32, #tpu.memory_space<hbm>> -> memref<80x128xi32, #tpu.memory_space<hbm>>
      tpu.wait_dma2 semaphore(%run_scoped3A : memref<!tpu.dma_semaphore, #tpu.memory_space<semaphore_mem>>) src(%dma_wait3A_48 : memref<80x128xi32, #tpu.memory_space<hbm>>) dst(%arg6 : memref<80x128xi32, #tpu.memory_space<vmem>>)
      tpu.yield
    }) : () -> ()
    %mul3A_29 = arith.constant 80 : i32
    %mul3A_30 = arith.muli %add3A, %mul3A_29 : i32
    "tpu.region"() ({
      %run_scoped3A = tpu.sem_alloc : memref<!tpu.dma_semaphore, #tpu.memory_space<semaphore_mem>>
      %dma_start3A = arith.constant 0 : i32
      %dma_start3A_43 = tpu.memref_slice %arg3[%mul3A_30, %dma_start3A] : memref<2560x128xi32, #tpu.memory_space<hbm>> -> memref<80x128xi32, #tpu.memory_space<hbm>>
      %dma_start3A_44 = arith.constant 0 : i32
      %dma_start3A_45 = tpu.memref_slice %arg3[%mul3A_30, %dma_start3A_44] : memref<2560x128xi32, #tpu.memory_space<hbm>> -> memref<80x128xi32, #tpu.memory_space<hbm>>
      tpu.enqueue_dma source(%dma_start3A_45 : memref<80x128xi32, #tpu.memory_space<hbm>>) target(%arg7 : memref<80x128xi32, #tpu.memory_space<vmem>>) target_semaphore(%run_scoped3A : memref<!tpu.dma_semaphore, #tpu.memory_space<semaphore_mem>>)
      %dma_wait3A = arith.constant 0 : i32
      %dma_wait3A_46 = tpu.memref_slice %arg3[%mul3A_30, %dma_wait3A] : memref<2560x128xi32, #tpu.memory_space<hbm>> -> memref<80x128xi32, #tpu.memory_space<hbm>>
      %dma_wait3A_47 = arith.constant 0 : i32
      %dma_wait3A_48 = tpu.memref_slice %arg3[%mul3A_30, %dma_wait3A_47] : memref<2560x128xi32, #tpu.memory_space<hbm>> -> memref<80x128xi32, #tpu.memory_space<hbm>>
      tpu.wait_dma2 semaphore(%run_scoped3A : memref<!tpu.dma_semaphore, #tpu.memory_space<semaphore_mem>>) src(%dma_wait3A_48 : memref<80x128xi32, #tpu.memory_space<hbm>>) dst(%arg7 : memref<80x128xi32, #tpu.memory_space<vmem>>)
      tpu.yield
    }) : () -> ()
    %scan3A_31 = arith.constant 0 : i32
    %scan3A_32 = arith.constant 0 : i32
    %scan3A_33 = arith.constant 80 : i32
    %scan3A_34 = arith.addi %scan3A_32, %scan3A_33 : i32
    %scan3A_35 = arith.constant 1 : i32
    %scan3A_36 = scf.for %scan3A_43 = %scan3A_32 to %scan3A_34 step %scan3A_35 iter_args(%scan3A_44 = %scan3A_31) -> (i32)  : i32 {
      %dma_start3A = arith.constant 0 : i32
      %dma_start3A_45 = tpu.memref_slice %arg6[%scan3A_43, %dma_start3A] : memref<80x128xi32, #tpu.memory_space<vmem>> -> memref<1x128xi32, #tpu.memory_space<vmem>>
      %dma_start3A_46 = tpu.memref_squeeze %dma_start3A_45 : memref<1x128xi32, #tpu.memory_space<vmem>> -> memref<128xi32, #tpu.memory_space<vmem>>
      %dma_start3A_47 = arith.constant 0 : i32
      %dma_start3A_48 = arith.constant 0 : i32
      %dma_start3A_49 = tpu.memref_slice %arg4[%dma_start3A_47, %dma_start3A_48] : memref<10240x128xf32, #tpu.memory_space<hbm>> -> memref<10240x128xf32, #tpu.memory_space<hbm>>
      tpu.enqueue_indirect_dma source(%dma_start3A_49 : memref<10240x128xf32, #tpu.memory_space<hbm>>) target(%arg8 : memref<128x128xf32, #tpu.memory_space<vmem>>) offsets(%dma_start3A_46 : memref<128xi32, #tpu.memory_space<vmem>>) semaphore(%arg10 : memref<!tpu.dma_semaphore, #tpu.memory_space<semaphore_mem>>)
      %dma_wait3A = arith.constant 0 : i32
      %dma_wait3A_50 = tpu.memref_slice %arg6[%scan3A_43, %dma_wait3A] : memref<80x128xi32, #tpu.memory_space<vmem>> -> memref<1x128xi32, #tpu.memory_space<vmem>>
      %dma_wait3A_51 = tpu.memref_squeeze %dma_wait3A_50 : memref<1x128xi32, #tpu.memory_space<vmem>> -> memref<128xi32, #tpu.memory_space<vmem>>
      %dma_wait3A_52 = arith.constant 0 : i32
      %dma_wait3A_53 = arith.constant 0 : i32
      %dma_wait3A_54 = tpu.memref_slice %arg4[%dma_wait3A_52, %dma_wait3A_53] : memref<10240x128xf32, #tpu.memory_space<hbm>> -> memref<10240x128xf32, #tpu.memory_space<hbm>>
      tpu.wait_indirect_dma semaphore(%arg10 : memref<!tpu.dma_semaphore, #tpu.memory_space<semaphore_mem>>) src(%dma_wait3A_54 : memref<10240x128xf32, #tpu.memory_space<hbm>>) dst(%arg8 : memref<128x128xf32, #tpu.memory_space<vmem>>)
      "tpu.region"() ({
        %run_scoped3A = tpu.sem_alloc : memref<!tpu.dma_semaphore, #tpu.memory_space<semaphore_mem>>
        %dma_start3A_56 = arith.constant 0 : i32
        %dma_start3A_57 = tpu.memref_slice %arg7[%scan3A_43, %dma_start3A_56] : memref<80x128xi32, #tpu.memory_space<vmem>> -> memref<1x128xi32, #tpu.memory_space<vmem>>
        %dma_start3A_58 = tpu.memref_squeeze %dma_start3A_57 : memref<1x128xi32, #tpu.memory_space<vmem>> -> memref<128xi32, #tpu.memory_space<vmem>>
        %dma_start3A_59 = arith.constant 0 : i32
        %dma_start3A_60 = arith.constant 0 : i32
        %dma_start3A_61 = tpu.memref_slice %arg9[%dma_start3A_59, %dma_start3A_60] : memref<10240x128xf32, #tpu.memory_space<vmem_shared>> -> memref<10240x128xf32, #tpu.memory_space<vmem_shared>>
        tpu.enqueue_indirect_dma source(%arg8 : memref<128x128xf32, #tpu.memory_space<vmem>>) target(%dma_start3A_61 : memref<10240x128xf32, #tpu.memory_space<vmem_shared>>) offsets(%dma_start3A_58 : memref<128xi32, #tpu.memory_space<vmem>>) semaphore(%run_scoped3A : memref<!tpu.dma_semaphore, #tpu.memory_space<semaphore_mem>>) {add = true}
        %dma_wait3A_62 = arith.constant 0 : i32
        %dma_wait3A_63 = tpu.memref_slice %arg7[%scan3A_43, %dma_wait3A_62] : memref<80x128xi32, #tpu.memory_space<vmem>> -> memref<1x128xi32, #tpu.memory_space<vmem>>
        %dma_wait3A_64 = tpu.memref_squeeze %dma_wait3A_63 : memref<1x128xi32, #tpu.memory_space<vmem>> -> memref<128xi32, #tpu.memory_space<vmem>>
        %dma_wait3A_65 = arith.constant 0 : i32
        %dma_wait3A_66 = arith.constant 0 : i32
        %dma_wait3A_67 = tpu.memref_slice %arg9[%dma_wait3A_65, %dma_wait3A_66] : memref<10240x128xf32, #tpu.memory_space<vmem_shared>> -> memref<10240x128xf32, #tpu.memory_space<vmem_shared>>
        tpu.wait_indirect_dma semaphore(%run_scoped3A : memref<!tpu.dma_semaphore, #tpu.memory_space<semaphore_mem>>) src(%arg8 : memref<128x128xf32, #tpu.memory_space<vmem>>) dst(%dma_wait3A_67 : memref<10240x128xf32, #tpu.memory_space<vmem_shared>>)
        tpu.yield
      }) : () -> ()
      %scan3A_55 = arith.constant 0 : i32
      scf.yield %scan3A_55 : i32
    }
    %scan3A_37 = arith.constant 80 : i32
    %barrier3A_38 = arith.constant 0 : index
    tpu.barrier barrier_id(%barrier3A_38)
    %mul3A_39 = arith.constant 640 : i32
    %mul3A_40 = arith.muli %arg1, %mul3A_39 : i32
    %mul3A_41 = arith.constant 640 : i32
    %mul3A_42 = arith.muli %arg1, %mul3A_41 : i32
    "tpu.region"() ({
      %run_scoped3A = tpu.sem_alloc : memref<!tpu.dma_semaphore, #tpu.memory_space<semaphore_mem>>
      %dma_start3A = arith.constant 0 : i32
      %dma_start3A_43 = tpu.memref_slice %arg5[%arg0, %mul3A_42, %dma_start3A] : memref<2x10240x128xf32, #tpu.memory_space<hbm>> -> memref<1x640x128xf32, #tpu.memory_space<hbm>>
      %dma_start3A_44 = tpu.memref_squeeze %dma_start3A_43 : memref<1x640x128xf32, #tpu.memory_space<hbm>> -> memref<640x128xf32, #tpu.memory_space<hbm>>
      %dma_start3A_45 = arith.constant 0 : i32
      %dma_start3A_46 = tpu.memref_slice %arg9[%mul3A_40, %dma_start3A_45] : memref<10240x128xf32, #tpu.memory_space<vmem_shared>> -> memref<640x128xf32, #tpu.memory_space<vmem_shared>>
      tpu.enqueue_dma source(%dma_start3A_46 : memref<640x128xf32, #tpu.memory_space<vmem_shared>>) target(%dma_start3A_44 : memref<640x128xf32, #tpu.memory_space<hbm>>) target_semaphore(%run_scoped3A : memref<!tpu.dma_semaphore, #tpu.memory_space<semaphore_mem>>)
      %dma_wait3A = arith.constant 0 : i32
      %dma_wait3A_47 = tpu.memref_slice %arg5[%arg0, %mul3A_42, %dma_wait3A] : memref<2x10240x128xf32, #tpu.memory_space<hbm>> -> memref<1x640x128xf32, #tpu.memory_space<hbm>>
      %dma_wait3A_48 = tpu.memref_squeeze %dma_wait3A_47 : memref<1x640x128xf32, #tpu.memory_space<hbm>> -> memref<640x128xf32, #tpu.memory_space<hbm>>
      %dma_wait3A_49 = arith.constant 0 : i32
      %dma_wait3A_50 = tpu.memref_slice %arg9[%mul3A_40, %dma_wait3A_49] : memref<10240x128xf32, #tpu.memory_space<vmem_shared>> -> memref<640x128xf32, #tpu.memory_space<vmem_shared>>
      tpu.wait_dma2 semaphore(%run_scoped3A : memref<!tpu.dma_semaphore, #tpu.memory_space<semaphore_mem>>) src(%dma_wait3A_50 : memref<640x128xf32, #tpu.memory_space<vmem_shared>>) dst(%dma_wait3A_48 : memref<640x128xf32, #tpu.memory_space<hbm>>)
      tpu.yield
    }) : () -> ()
    return
  }
}

#map = affine_map<(d0, d1) -> (0, 0)>
module attributes {stable_mosaic.version = 14 : i64} {
  func.func @_sc_deg_body(%arg0: i32, %arg1: i32, %arg2: memref<2560x128xi32, #tpu.memory_space<hbm>>, %arg3: memref<2x10240xf32, #tpu.memory_space<hbm>>, %arg4: memref<80x128xi32, #tpu.memory_space<vmem>>, %arg5: memref<128xf32, #tpu.memory_space<vmem>>, %arg6: memref<640xf32, #tpu.memory_space<vmem>>, %arg7: memref<10240xf32, #tpu.memory_space<vmem_shared>>) attributes {dimension_semantics = [#tpu.dimension_semantics<core_parallel>, #tpu.dimension_semantics<subcore_parallel>], iteration_bounds = array<i64: 2, 16>, scalar_prefetch = 0 : i64, scratch_operands = 4 : i64, tpu.core_type = #tpu.core_type<sc_vector_subcore>, window_params = [{transform_indices = #map}, {transform_indices = #map}]} {
    %mul3A = arith.constant 2 : i32
    %mul3A_0 = arith.muli %arg1, %mul3A : i32
    %add3A = arith.addi %mul3A_0, %arg0 : i32
    %broadcast_in_dim3A = arith.constant 1.000000e+00 : f32
    %broadcast_in_dim3A_1 = vector.broadcast %broadcast_in_dim3A : f32 to vector<16xf32>
    %swap3A = arith.constant 0 : index
    %swap3A_2 = tpu.vector_load %arg5[%swap3A] {strides = array<i32>} : memref<128xf32, #tpu.memory_space<vmem>>, vector<16xf32>,
    %swap3A_3 = vector.shape_cast %swap3A_2 : vector<16xf32> to vector<16xf32>
    %swap3A_4 = vector.shape_cast %broadcast_in_dim3A_1 : vector<16xf32> to vector<16xf32>
    tpu.vector_store %arg5[%swap3A], %swap3A_4 {strides = array<i32>} : memref<128xf32, #tpu.memory_space<vmem>>, vector<16xf32>,
    %broadcast_in_dim3A_5 = arith.constant 1.000000e+00 : f32
    %broadcast_in_dim3A_6 = vector.broadcast %broadcast_in_dim3A_5 : f32 to vector<16xf32>
    %swap3A_7 = arith.constant 16 : index
    %swap3A_8 = tpu.vector_load %arg5[%swap3A_7] {strides = array<i32>} : memref<128xf32, #tpu.memory_space<vmem>>, vector<16xf32>,
    %swap3A_9 = vector.shape_cast %swap3A_8 : vector<16xf32> to vector<16xf32>
    %swap3A_10 = vector.shape_cast %broadcast_in_dim3A_6 : vector<16xf32> to vector<16xf32>
    tpu.vector_store %arg5[%swap3A_7], %swap3A_10 {strides = array<i32>} : memref<128xf32, #tpu.memory_space<vmem>>, vector<16xf32>,
    %broadcast_in_dim3A_11 = arith.constant 1.000000e+00 : f32
    %broadcast_in_dim3A_12 = vector.broadcast %broadcast_in_dim3A_11 : f32 to vector<16xf32>
    %swap3A_13 = arith.constant 32 : index
    %swap3A_14 = tpu.vector_load %arg5[%swap3A_13] {strides = array<i32>} : memref<128xf32, #tpu.memory_space<vmem>>, vector<16xf32>,
    %swap3A_15 = vector.shape_cast %swap3A_14 : vector<16xf32> to vector<16xf32>
    %swap3A_16 = vector.shape_cast %broadcast_in_dim3A_12 : vector<16xf32> to vector<16xf32>
    tpu.vector_store %arg5[%swap3A_13], %swap3A_16 {strides = array<i32>} : memref<128xf32, #tpu.memory_space<vmem>>, vector<16xf32>,
    %broadcast_in_dim3A_17 = arith.constant 1.000000e+00 : f32
    %broadcast_in_dim3A_18 = vector.broadcast %broadcast_in_dim3A_17 : f32 to vector<16xf32>
    %swap3A_19 = arith.constant 48 : index
    %swap3A_20 = tpu.vector_load %arg5[%swap3A_19] {strides = array<i32>} : memref<128xf32, #tpu.memory_space<vmem>>, vector<16xf32>,
    %swap3A_21 = vector.shape_cast %swap3A_20 : vector<16xf32> to vector<16xf32>
    %swap3A_22 = vector.shape_cast %broadcast_in_dim3A_18 : vector<16xf32> to vector<16xf32>
    tpu.vector_store %arg5[%swap3A_19], %swap3A_22 {strides = array<i32>} : memref<128xf32, #tpu.memory_space<vmem>>, vector<16xf32>,
    %broadcast_in_dim3A_23 = arith.constant 1.000000e+00 : f32
    %broadcast_in_dim3A_24 = vector.broadcast %broadcast_in_dim3A_23 : f32 to vector<16xf32>
    %swap3A_25 = arith.constant 64 : index
    %swap3A_26 = tpu.vector_load %arg5[%swap3A_25] {strides = array<i32>} : memref<128xf32, #tpu.memory_space<vmem>>, vector<16xf32>,
    %swap3A_27 = vector.shape_cast %swap3A_26 : vector<16xf32> to vector<16xf32>
    %swap3A_28 = vector.shape_cast %broadcast_in_dim3A_24 : vector<16xf32> to vector<16xf32>
    tpu.vector_store %arg5[%swap3A_25], %swap3A_28 {strides = array<i32>} : memref<128xf32, #tpu.memory_space<vmem>>, vector<16xf32>,
    %broadcast_in_dim3A_29 = arith.constant 1.000000e+00 : f32
    %broadcast_in_dim3A_30 = vector.broadcast %broadcast_in_dim3A_29 : f32 to vector<16xf32>
    %swap3A_31 = arith.constant 80 : index
    %swap3A_32 = tpu.vector_load %arg5[%swap3A_31] {strides = array<i32>} : memref<128xf32, #tpu.memory_space<vmem>>, vector<16xf32>,
    %swap3A_33 = vector.shape_cast %swap3A_32 : vector<16xf32> to vector<16xf32>
    %swap3A_34 = vector.shape_cast %broadcast_in_dim3A_30 : vector<16xf32> to vector<16xf32>
    tpu.vector_store %arg5[%swap3A_31], %swap3A_34 {strides = array<i32>} : memref<128xf32, #tpu.memory_space<vmem>>, vector<16xf32>,
    %broadcast_in_dim3A_35 = arith.constant 1.000000e+00 : f32
    %broadcast_in_dim3A_36 = vector.broadcast %broadcast_in_dim3A_35 : f32 to vector<16xf32>
    %swap3A_37 = arith.constant 96 : index
    %swap3A_38 = tpu.vector_load %arg5[%swap3A_37] {strides = array<i32>} : memref<128xf32, #tpu.memory_space<vmem>>, vector<16xf32>,
    %swap3A_39 = vector.shape_cast %swap3A_38 : vector<16xf32> to vector<16xf32>
    %swap3A_40 = vector.shape_cast %broadcast_in_dim3A_36 : vector<16xf32> to vector<16xf32>
    tpu.vector_store %arg5[%swap3A_37], %swap3A_40 {strides = array<i32>} : memref<128xf32, #tpu.memory_space<vmem>>, vector<16xf32>,
    %broadcast_in_dim3A_41 = arith.constant 1.000000e+00 : f32
    %broadcast_in_dim3A_42 = vector.broadcast %broadcast_in_dim3A_41 : f32 to vector<16xf32>
    %swap3A_43 = arith.constant 112 : index
    %swap3A_44 = tpu.vector_load %arg5[%swap3A_43] {strides = array<i32>} : memref<128xf32, #tpu.memory_space<vmem>>, vector<16xf32>,
    %swap3A_45 = vector.shape_cast %swap3A_44 : vector<16xf32> to vector<16xf32>
    %swap3A_46 = vector.shape_cast %broadcast_in_dim3A_42 : vector<16xf32> to vector<16xf32>
    tpu.vector_store %arg5[%swap3A_43], %swap3A_46 {strides = array<i32>} : memref<128xf32, #tpu.memory_space<vmem>>, vector<16xf32>,
    %scan3A = arith.constant 0 : i32
    %scan3A_47 = arith.constant 0 : i32
    %scan3A_48 = arith.constant 40 : i32
    %scan3A_49 = arith.addi %scan3A_47, %scan3A_48 : i32
    %scan3A_50 = arith.constant 1 : i32
    %scan3A_51 = scf.for %scan3A_69 = %scan3A_47 to %scan3A_49 step %scan3A_50 iter_args(%scan3A_70 = %scan3A) -> (i32)  : i32 {
      %broadcast_in_dim3A_71 = arith.constant 0.000000e+00 : f32
      %broadcast_in_dim3A_72 = vector.broadcast %broadcast_in_dim3A_71 : f32 to vector<16xf32>
      %mul3A_73 = arith.constant 16 : i32
      %mul3A_74 = arith.muli %scan3A_69, %mul3A_73 : i32
      %swap3A_75 = arith.index_cast %mul3A_74 : i32 to index
      %swap3A_76 = tpu.vector_load %arg6[%swap3A_75] {strides = array<i32>} : memref<640xf32, #tpu.memory_space<vmem>>, vector<16xf32>,
      %swap3A_77 = vector.shape_cast %swap3A_76 : vector<16xf32> to vector<16xf32>
      %swap3A_78 = vector.shape_cast %broadcast_in_dim3A_72 : vector<16xf32> to vector<16xf32>
      tpu.vector_store %arg6[%swap3A_75], %swap3A_78 {strides = array<i32>} : memref<640xf32, #tpu.memory_space<vmem>>, vector<16xf32>,
      %scan3A_79 = arith.constant 0 : i32
      scf.yield %scan3A_79 : i32
    }
    %scan3A_52 = arith.constant 40 : i32
    %mul3A_53 = arith.constant 640 : i32
    %mul3A_54 = arith.muli %arg1, %mul3A_53 : i32
    "tpu.region"() ({
      %run_scoped3A = tpu.sem_alloc : memref<!tpu.dma_semaphore, #tpu.memory_space<semaphore_mem>>
      %dma_start3A = tpu.memref_slice %arg7[%mul3A_54] : memref<10240xf32, #tpu.memory_space<vmem_shared>> -> memref<640xf32, #tpu.memory_space<vmem_shared>>
      %dma_start3A_69 = tpu.memref_slice %arg7[%mul3A_54] : memref<10240xf32, #tpu.memory_space<vmem_shared>> -> memref<640xf32, #tpu.memory_space<vmem_shared>>
      tpu.enqueue_dma source(%arg6 : memref<640xf32, #tpu.memory_space<vmem>>) target(%dma_start3A_69 : memref<640xf32, #tpu.memory_space<vmem_shared>>) target_semaphore(%run_scoped3A : memref<!tpu.dma_semaphore, #tpu.memory_space<semaphore_mem>>)
      %dma_wait3A = tpu.memref_slice %arg7[%mul3A_54] : memref<10240xf32, #tpu.memory_space<vmem_shared>> -> memref<640xf32, #tpu.memory_space<vmem_shared>>
      %dma_wait3A_70 = tpu.memref_slice %arg7[%mul3A_54] : memref<10240xf32, #tpu.memory_space<vmem_shared>> -> memref<640xf32, #tpu.memory_space<vmem_shared>>
      tpu.wait_dma2 semaphore(%run_scoped3A : memref<!tpu.dma_semaphore, #tpu.memory_space<semaphore_mem>>) src(%arg6 : memref<640xf32, #tpu.memory_space<vmem>>) dst(%dma_wait3A_70 : memref<640xf32, #tpu.memory_space<vmem_shared>>)
      tpu.yield
    }) : () -> ()
    %barrier3A = arith.constant 0 : index
    tpu.barrier barrier_id(%barrier3A)
    %mul3A_55 = arith.constant 80 : i32
    %mul3A_56 = arith.muli %add3A, %mul3A_55 : i32
    "tpu.region"() ({
      %run_scoped3A = tpu.sem_alloc : memref<!tpu.dma_semaphore, #tpu.memory_space<semaphore_mem>>
      %dma_start3A = arith.constant 0 : i32
      %dma_start3A_69 = tpu.memref_slice %arg2[%mul3A_56, %dma_start3A] : memref<2560x128xi32, #tpu.memory_space<hbm>> -> memref<80x128xi32, #tpu.memory_space<hbm>>
      %dma_start3A_70 = arith.constant 0 : i32
      %dma_start3A_71 = tpu.memref_slice %arg2[%mul3A_56, %dma_start3A_70] : memref<2560x128xi32, #tpu.memory_space<hbm>> -> memref<80x128xi32, #tpu.memory_space<hbm>>
      tpu.enqueue_dma source(%dma_start3A_71 : memref<80x128xi32, #tpu.memory_space<hbm>>) target(%arg4 : memref<80x128xi32, #tpu.memory_space<vmem>>) target_semaphore(%run_scoped3A : memref<!tpu.dma_semaphore, #tpu.memory_space<semaphore_mem>>)
      %dma_wait3A = arith.constant 0 : i32
      %dma_wait3A_72 = tpu.memref_slice %arg2[%mul3A_56, %dma_wait3A] : memref<2560x128xi32, #tpu.memory_space<hbm>> -> memref<80x128xi32, #tpu.memory_space<hbm>>
      %dma_wait3A_73 = arith.constant 0 : i32
      %dma_wait3A_74 = tpu.memref_slice %arg2[%mul3A_56, %dma_wait3A_73] : memref<2560x128xi32, #tpu.memory_space<hbm>> -> memref<80x128xi32, #tpu.memory_space<hbm>>
      tpu.wait_dma2 semaphore(%run_scoped3A : memref<!tpu.dma_semaphore, #tpu.memory_space<semaphore_mem>>) src(%dma_wait3A_74 : memref<80x128xi32, #tpu.memory_space<hbm>>) dst(%arg4 : memref<80x128xi32, #tpu.memory_space<vmem>>)
      tpu.yield
    }) : () -> ()
    %scan3A_57 = arith.constant 0 : i32
    %scan3A_58 = arith.constant 0 : i32
    %scan3A_59 = arith.constant 80 : i32
    %scan3A_60 = arith.addi %scan3A_58, %scan3A_59 : i32
    %scan3A_61 = arith.constant 1 : i32
    %scan3A_62 = scf.for %scan3A_69 = %scan3A_58 to %scan3A_60 step %scan3A_61 iter_args(%scan3A_70 = %scan3A_57) -> (i32)  : i32 {
      "tpu.region"() ({
        %run_scoped3A = tpu.sem_alloc : memref<!tpu.dma_semaphore, #tpu.memory_space<semaphore_mem>>
        %dma_start3A = arith.constant 0 : i32
        %dma_start3A_72 = tpu.memref_slice %arg4[%scan3A_69, %dma_start3A] : memref<80x128xi32, #tpu.memory_space<vmem>> -> memref<1x128xi32, #tpu.memory_space<vmem>>
        %dma_start3A_73 = tpu.memref_squeeze %dma_start3A_72 : memref<1x128xi32, #tpu.memory_space<vmem>> -> memref<128xi32, #tpu.memory_space<vmem>>
        %dma_start3A_74 = arith.constant 0 : i32
        %dma_start3A_75 = tpu.memref_slice %arg7[%dma_start3A_74] : memref<10240xf32, #tpu.memory_space<vmem_shared>> -> memref<10240xf32, #tpu.memory_space<vmem_shared>>
        tpu.enqueue_indirect_dma source(%arg5 : memref<128xf32, #tpu.memory_space<vmem>>) target(%dma_start3A_75 : memref<10240xf32, #tpu.memory_space<vmem_shared>>) offsets(%dma_start3A_73 : memref<128xi32, #tpu.memory_space<vmem>>) semaphore(%run_scoped3A : memref<!tpu.dma_semaphore, #tpu.memory_space<semaphore_mem>>) {add = true}
        %dma_wait3A = arith.constant 0 : i32
        %dma_wait3A_76 = tpu.memref_slice %arg4[%scan3A_69, %dma_wait3A] : memref<80x128xi32, #tpu.memory_space<vmem>> -> memref<1x128xi32, #tpu.memory_space<vmem>>
        %dma_wait3A_77 = tpu.memref_squeeze %dma_wait3A_76 : memref<1x128xi32, #tpu.memory_space<vmem>> -> memref<128xi32, #tpu.memory_space<vmem>>
        %dma_wait3A_78 = arith.constant 0 : i32
        %dma_wait3A_79 = tpu.memref_slice %arg7[%dma_wait3A_78] : memref<10240xf32, #tpu.memory_space<vmem_shared>> -> memref<10240xf32, #tpu.memory_space<vmem_shared>>
        tpu.wait_indirect_dma semaphore(%run_scoped3A : memref<!tpu.dma_semaphore, #tpu.memory_space<semaphore_mem>>) src(%arg5 : memref<128xf32, #tpu.memory_space<vmem>>) dst(%dma_wait3A_79 : memref<10240xf32, #tpu.memory_space<vmem_shared>>)
        tpu.yield
      }) : () -> ()
      %scan3A_71 = arith.constant 0 : i32
      scf.yield %scan3A_71 : i32
    }
    %scan3A_63 = arith.constant 80 : i32
    %barrier3A_64 = arith.constant 0 : index
    tpu.barrier barrier_id(%barrier3A_64)
    %mul3A_65 = arith.constant 640 : i32
    %mul3A_66 = arith.muli %arg1, %mul3A_65 : i32
    %mul3A_67 = arith.constant 640 : i32
    %mul3A_68 = arith.muli %arg1, %mul3A_67 : i32
    "tpu.region"() ({
      %run_scoped3A = tpu.sem_alloc : memref<!tpu.dma_semaphore, #tpu.memory_space<semaphore_mem>>
      %dma_start3A = tpu.memref_slice %arg3[%arg0, %mul3A_68] : memref<2x10240xf32, #tpu.memory_space<hbm>> -> memref<1x640xf32, #tpu.memory_space<hbm>>
      %dma_start3A_69 = tpu.memref_squeeze %dma_start3A : memref<1x640xf32, #tpu.memory_space<hbm>> -> memref<640xf32, #tpu.memory_space<hbm>>
      %dma_start3A_70 = tpu.memref_slice %arg7[%mul3A_66] : memref<10240xf32, #tpu.memory_space<vmem_shared>> -> memref<640xf32, #tpu.memory_space<vmem_shared>>
      tpu.enqueue_dma source(%dma_start3A_70 : memref<640xf32, #tpu.memory_space<vmem_shared>>) target(%dma_start3A_69 : memref<640xf32, #tpu.memory_space<hbm>>) target_semaphore(%run_scoped3A : memref<!tpu.dma_semaphore, #tpu.memory_space<semaphore_mem>>)
      %dma_wait3A = tpu.memref_slice %arg3[%arg0, %mul3A_68] : memref<2x10240xf32, #tpu.memory_space<hbm>> -> memref<1x640xf32, #tpu.memory_space<hbm>>
      %dma_wait3A_71 = tpu.memref_squeeze %dma_wait3A : memref<1x640xf32, #tpu.memory_space<hbm>> -> memref<640xf32, #tpu.memory_space<hbm>>
      %dma_wait3A_72 = tpu.memref_slice %arg7[%mul3A_66] : memref<10240xf32, #tpu.memory_space<vmem_shared>> -> memref<640xf32, #tpu.memory_space<vmem_shared>>
      tpu.wait_dma2 semaphore(%run_scoped3A : memref<!tpu.dma_semaphore, #tpu.memory_space<semaphore_mem>>) src(%dma_wait3A_72 : memref<640xf32, #tpu.memory_space<vmem_shared>>) dst(%dma_wait3A_71 : memref<640xf32, #tpu.memory_space<hbm>>)
      tpu.yield
    }) : () -> ()
    return
  }
}

module attributes {stable_mosaic.version = 14 : i64} {
  func.func @_dinv_body(%arg0: memref<2x80x128xf32, #tpu.memory_space<vmem>>, %arg1: memref<80x128xf32, #tpu.memory_space<vmem>>) attributes {dimension_semantics = [], scalar_prefetch = 0 : i64, scratch_operands = 0 : i64, tpu.core_type = #tpu.core_type<tc>} {
    %get3A = arith.constant 0 : index
    %get3A_0 = arith.constant 0 : index
    %get3A_1 = arith.constant 0 : index
    %get3A_2 = vector.load %arg0[%get3A, %get3A_0, %get3A_1] : memref<2x80x128xf32, #tpu.memory_space<vmem>>, vector<1x80x128xf32>
    %get3A_3 = vector.shape_cast %get3A_2 : vector<1x80x128xf32> to vector<80x128xf32>
    %get3A_4 = arith.constant 1 : index
    %get3A_5 = arith.constant 0 : index
    %get3A_6 = arith.constant 0 : index
    %get3A_7 = vector.load %arg0[%get3A_4, %get3A_5, %get3A_6] : memref<2x80x128xf32, #tpu.memory_space<vmem>>, vector<1x80x128xf32>
    %get3A_8 = vector.shape_cast %get3A_7 : vector<1x80x128xf32> to vector<80x128xf32>
    %add3A = arith.addf %get3A_3, %get3A_8 : vector<80x128xf32>
    %add3A_9 = arith.constant 1.000000e+00 : f32
    %add3A_10 = vector.broadcast %add3A_9 : f32 to vector<80x128xf32>
    %add3A_11 = arith.addf %add3A, %add3A_10 : vector<80x128xf32>
    %rsqrt3A = math.rsqrt %add3A_11 : vector<80x128xf32>
    %swap3A = arith.constant 0 : index
    %swap3A_12 = arith.constant 0 : index
    %swap3A_13 = vector.load %arg1[%swap3A, %swap3A_12] : memref<80x128xf32, #tpu.memory_space<vmem>>, vector<80x128xf32>
    tpu.vector_store %arg1[%swap3A, %swap3A_12], %rsqrt3A {strides = array<i32>} : memref<80x128xf32, #tpu.memory_space<vmem>>, vector<80x128xf32>,
    return
  }
}

module attributes {stable_mosaic.version = 14 : i64} {
  func.func @_mm1_body(%arg0: i32, %arg1: memref<512x128xf32, #tpu.memory_space<vmem>>, %arg2: memref<128x128xf32, #tpu.memory_space<vmem>>, %arg3: memref<512x1xf32, #tpu.memory_space<vmem>>, %arg4: memref<512x128xf32, #tpu.memory_space<vmem>>) attributes {dimension_semantics = [#tpu.dimension_semantics<arbitrary>], iteration_bounds = array<i64: 20>, scalar_prefetch = 0 : i64, scratch_operands = 0 : i64, tpu.core_type = #tpu.core_type<tc>, window_params = [{transform_indices = @transform_0, window_bounds = array<i64: 512, 128>}, {pipeline_mode = #tpu.pipeline_mode<synchronous>, transform_indices = @transform_1, window_bounds = array<i64: 128, 128>}, {transform_indices = @transform_2, window_bounds = array<i64: 512, 1>}, {transform_indices = @transform_3, window_bounds = array<i64: 512, 128>}]} {
    %get3A = arith.constant 0 : index
    %get3A_0 = arith.constant 0 : index
    %get3A_1 = vector.load %arg1[%get3A, %get3A_0] : memref<512x128xf32, #tpu.memory_space<vmem>>, vector<512x128xf32>
    %get3A_2 = arith.constant 0 : index
    %get3A_3 = arith.constant 0 : index
    %get3A_4 = vector.load %arg2[%get3A_2, %get3A_3] : memref<128x128xf32, #tpu.memory_space<vmem>>, vector<128x128xf32>
    %dot_general3A = arith.constant dense<0.000000e+00> : vector<512x128xf32>
    %dot_general3A_5 = tpu.matmul %get3A_1, %get3A_4, %dot_general3A {dimension_numbers = #tpu.dot_dimension_numbers<[1], [0], [0], [1], [0, 0, 1, 1], [], []>, transpose_lhs_hint = false} : vector<512x128xf32>, vector<128x128xf32>, vector<512x128xf32> -> vector<512x128xf32>
    %get3A_6 = arith.constant 0 : index
    %get3A_7 = arith.constant 0 : index
    %get3A_8 = vector.load %arg3[%get3A_6, %get3A_7] : memref<512x1xf32, #tpu.memory_space<vmem>>, vector<512x1xf32>
    %mul3A = vector.broadcast %get3A_8 : vector<512x1xf32> to vector<512x128xf32>
    %mul3A_9 = arith.mulf %dot_general3A_5, %mul3A : vector<512x128xf32>
    %swap3A = arith.constant 0 : index
    %swap3A_10 = arith.constant 0 : index
    %swap3A_11 = vector.load %arg4[%swap3A, %swap3A_10] : memref<512x128xf32, #tpu.memory_space<vmem>>, vector<512x128xf32>
    tpu.vector_store %arg4[%swap3A, %swap3A_10], %mul3A_9 {strides = array<i32>} : memref<512x128xf32, #tpu.memory_space<vmem>>, vector<512x128xf32>,
    return
  }
  func.func @transform_0(%arg0: i32) -> (i32, i32) {
    %c0_i32 = arith.constant 0 : i32
    %c0_i32_0 = arith.constant 0 : i32
    return %arg0, %c0_i32 : i32, i32
  }
  func.func @transform_1(%arg0: i32) -> (i32, i32) {
    %c0_i32 = arith.constant 0 : i32
    %c0_i32_0 = arith.constant 0 : i32
    %c0_i32_1 = arith.constant 0 : i32
    return %c0_i32, %c0_i32_0 : i32, i32
  }
  func.func @transform_2(%arg0: i32) -> (i32, i32) {
    %c0_i32 = arith.constant 0 : i32
    %c0_i32_0 = arith.constant 0 : i32
    return %arg0, %c0_i32 : i32, i32
  }
  func.func @transform_3(%arg0: i32) -> (i32, i32) {
    %c0_i32 = arith.constant 0 : i32
    %c0_i32_0 = arith.constant 0 : i32
    return %arg0, %c0_i32 : i32, i32
  }
}

module attributes {stable_mosaic.version = 14 : i64} {
  func.func @_mid_body(%arg0: i32, %arg1: memref<2x512x128xf32, #tpu.memory_space<vmem>>, %arg2: memref<512x128xf32, #tpu.memory_space<vmem>>, %arg3: memref<512x1xf32, #tpu.memory_space<vmem>>, %arg4: memref<1x128xf32, #tpu.memory_space<vmem>>, %arg5: memref<128x64xf32, #tpu.memory_space<vmem>>, %arg6: memref<512x64xf32, #tpu.memory_space<vmem>>) attributes {dimension_semantics = [#tpu.dimension_semantics<arbitrary>], iteration_bounds = array<i64: 20>, scalar_prefetch = 0 : i64, scratch_operands = 0 : i64, tpu.core_type = #tpu.core_type<tc>, window_params = [{transform_indices = @transform_0, window_bounds = array<i64: 2, 512, 128>}, {transform_indices = @transform_1, window_bounds = array<i64: 512, 128>}, {transform_indices = @transform_2, window_bounds = array<i64: 512, 1>}, {pipeline_mode = #tpu.pipeline_mode<synchronous>, transform_indices = @transform_3, window_bounds = array<i64: 1, 128>}, {pipeline_mode = #tpu.pipeline_mode<synchronous>, transform_indices = @transform_4, window_bounds = array<i64: 128, 64>}, {transform_indices = @transform_5, window_bounds = array<i64: 512, 64>}]} {
    %get3A = arith.constant 0 : index
    %get3A_0 = arith.constant 0 : index
    %get3A_1 = arith.constant 0 : index
    %get3A_2 = vector.load %arg1[%get3A, %get3A_0, %get3A_1] : memref<2x512x128xf32, #tpu.memory_space<vmem>>, vector<1x512x128xf32>
    %get3A_3 = vector.shape_cast %get3A_2 : vector<1x512x128xf32> to vector<512x128xf32>
    %get3A_4 = arith.constant 1 : index
    %get3A_5 = arith.constant 0 : index
    %get3A_6 = arith.constant 0 : index
    %get3A_7 = vector.load %arg1[%get3A_4, %get3A_5, %get3A_6] : memref<2x512x128xf32, #tpu.memory_space<vmem>>, vector<1x512x128xf32>
    %get3A_8 = vector.shape_cast %get3A_7 : vector<1x512x128xf32> to vector<512x128xf32>
    %add3A = arith.addf %get3A_3, %get3A_8 : vector<512x128xf32>
    %get3A_9 = arith.constant 0 : index
    %get3A_10 = arith.constant 0 : index
    %get3A_11 = vector.load %arg2[%get3A_9, %get3A_10] : memref<512x128xf32, #tpu.memory_space<vmem>>, vector<512x128xf32>
    %add3A_12 = arith.addf %add3A, %get3A_11 : vector<512x128xf32>
    %get3A_13 = arith.constant 0 : index
    %get3A_14 = arith.constant 0 : index
    %get3A_15 = vector.load %arg3[%get3A_13, %get3A_14] : memref<512x1xf32, #tpu.memory_space<vmem>>, vector<512x1xf32>
    %mul3A = vector.broadcast %get3A_15 : vector<512x1xf32> to vector<512x128xf32>
    %mul3A_16 = arith.mulf %add3A_12, %mul3A : vector<512x128xf32>
    %get3A_17 = arith.constant 0 : index
    %get3A_18 = arith.constant 0 : index
    %get3A_19 = vector.load %arg4[%get3A_17, %get3A_18] : memref<1x128xf32, #tpu.memory_space<vmem>>, vector<1x128xf32>
    %add3A_20 = vector.broadcast %get3A_19 : vector<1x128xf32> to vector<512x128xf32>
    %add3A_21 = arith.addf %mul3A_16, %add3A_20 : vector<512x128xf32>
    %max3A = arith.constant 0.000000e+00 : f32
    %max3A_22 = vector.broadcast %max3A : f32 to vector<512x128xf32>
    %max3A_23 = arith.maximumf %add3A_21, %max3A_22 : vector<512x128xf32>
    %get3A_24 = arith.constant 0 : index
    %get3A_25 = arith.constant 0 : index
    %get3A_26 = vector.load %arg5[%get3A_24, %get3A_25] : memref<128x64xf32, #tpu.memory_space<vmem>>, vector<128x64xf32>
    %dot_general3A = arith.constant dense<0.000000e+00> : vector<512x64xf32>
    %dot_general3A_27 = tpu.matmul %max3A_23, %get3A_26, %dot_general3A {dimension_numbers = #tpu.dot_dimension_numbers<[1], [0], [0], [1], [0, 0, 1, 1], [], []>, transpose_lhs_hint = false} : vector<512x128xf32>, vector<128x64xf32>, vector<512x64xf32> -> vector<512x64xf32>
    %get3A_28 = arith.constant 0 : index
    %get3A_29 = arith.constant 0 : index
    %get3A_30 = vector.load %arg3[%get3A_28, %get3A_29] : memref<512x1xf32, #tpu.memory_space<vmem>>, vector<512x1xf32>
    %mul3A_31 = vector.broadcast %get3A_30 : vector<512x1xf32> to vector<512x64xf32>
    %mul3A_32 = arith.mulf %dot_general3A_27, %mul3A_31 : vector<512x64xf32>
    %swap3A = arith.constant 0 : index
    %swap3A_33 = arith.constant 0 : index
    %swap3A_34 = vector.load %arg6[%swap3A, %swap3A_33] : memref<512x64xf32, #tpu.memory_space<vmem>>, vector<512x64xf32>
    tpu.vector_store %arg6[%swap3A, %swap3A_33], %mul3A_32 {strides = array<i32>} : memref<512x64xf32, #tpu.memory_space<vmem>>, vector<512x64xf32>,
    return
  }
  func.func @transform_0(%arg0: i32) -> (i32, i32, i32) {
    %c0_i32 = arith.constant 0 : i32
    %c0_i32_0 = arith.constant 0 : i32
    %c0_i32_1 = arith.constant 0 : i32
    return %c0_i32, %arg0, %c0_i32_0 : i32, i32, i32
  }
  func.func @transform_1(%arg0: i32) -> (i32, i32) {
    %c0_i32 = arith.constant 0 : i32
    %c0_i32_0 = arith.constant 0 : i32
    return %arg0, %c0_i32 : i32, i32
  }
  func.func @transform_2(%arg0: i32) -> (i32, i32) {
    %c0_i32 = arith.constant 0 : i32
    %c0_i32_0 = arith.constant 0 : i32
    return %arg0, %c0_i32 : i32, i32
  }
  func.func @transform_3(%arg0: i32) -> (i32, i32) {
    %c0_i32 = arith.constant 0 : i32
    %c0_i32_0 = arith.constant 0 : i32
    %c0_i32_1 = arith.constant 0 : i32
    return %c0_i32, %c0_i32_0 : i32, i32
  }
  func.func @transform_4(%arg0: i32) -> (i32, i32) {
    %c0_i32 = arith.constant 0 : i32
    %c0_i32_0 = arith.constant 0 : i32
    %c0_i32_1 = arith.constant 0 : i32
    return %c0_i32, %c0_i32_0 : i32, i32
  }
  func.func @transform_5(%arg0: i32) -> (i32, i32) {
    %c0_i32 = arith.constant 0 : i32
    %c0_i32_0 = arith.constant 0 : i32
    return %arg0, %c0_i32 : i32, i32
  }
}

module attributes {stable_mosaic.version = 14 : i64} {
  func.func @_fin_body(%arg0: i32, %arg1: memref<2x512x64xf32, #tpu.memory_space<vmem>>, %arg2: memref<512x64xf32, #tpu.memory_space<vmem>>, %arg3: memref<512x1xf32, #tpu.memory_space<vmem>>, %arg4: memref<1x64xf32, #tpu.memory_space<vmem>>, %arg5: memref<512x64xf32, #tpu.memory_space<vmem>>) attributes {dimension_semantics = [#tpu.dimension_semantics<arbitrary>], iteration_bounds = array<i64: 20>, scalar_prefetch = 0 : i64, scratch_operands = 0 : i64, tpu.core_type = #tpu.core_type<tc>, window_params = [{transform_indices = @transform_0, window_bounds = array<i64: 2, 512, 64>}, {transform_indices = @transform_1, window_bounds = array<i64: 512, 64>}, {transform_indices = @transform_2, window_bounds = array<i64: 512, 1>}, {pipeline_mode = #tpu.pipeline_mode<synchronous>, transform_indices = @transform_3, window_bounds = array<i64: 1, 64>}, {transform_indices = @transform_4, window_bounds = array<i64: 512, 64>}]} {
    %get3A = arith.constant 0 : index
    %get3A_0 = arith.constant 0 : index
    %get3A_1 = arith.constant 0 : index
    %get3A_2 = vector.load %arg1[%get3A, %get3A_0, %get3A_1] : memref<2x512x64xf32, #tpu.memory_space<vmem>>, vector<1x512x64xf32>
    %get3A_3 = vector.shape_cast %get3A_2 : vector<1x512x64xf32> to vector<512x64xf32>
    %get3A_4 = arith.constant 1 : index
    %get3A_5 = arith.constant 0 : index
    %get3A_6 = arith.constant 0 : index
    %get3A_7 = vector.load %arg1[%get3A_4, %get3A_5, %get3A_6] : memref<2x512x64xf32, #tpu.memory_space<vmem>>, vector<1x512x64xf32>
    %get3A_8 = vector.shape_cast %get3A_7 : vector<1x512x64xf32> to vector<512x64xf32>
    %add3A = arith.addf %get3A_3, %get3A_8 : vector<512x64xf32>
    %get3A_9 = arith.constant 0 : index
    %get3A_10 = arith.constant 0 : index
    %get3A_11 = vector.load %arg2[%get3A_9, %get3A_10] : memref<512x64xf32, #tpu.memory_space<vmem>>, vector<512x64xf32>
    %add3A_12 = arith.addf %add3A, %get3A_11 : vector<512x64xf32>
    %get3A_13 = arith.constant 0 : index
    %get3A_14 = arith.constant 0 : index
    %get3A_15 = vector.load %arg3[%get3A_13, %get3A_14] : memref<512x1xf32, #tpu.memory_space<vmem>>, vector<512x1xf32>
    %mul3A = vector.broadcast %get3A_15 : vector<512x1xf32> to vector<512x64xf32>
    %mul3A_16 = arith.mulf %add3A_12, %mul3A : vector<512x64xf32>
    %get3A_17 = arith.constant 0 : index
    %get3A_18 = arith.constant 0 : index
    %get3A_19 = vector.load %arg4[%get3A_17, %get3A_18] : memref<1x64xf32, #tpu.memory_space<vmem>>, vector<1x64xf32>
    %add3A_20 = vector.broadcast %get3A_19 : vector<1x64xf32> to vector<512x64xf32>
    %add3A_21 = arith.addf %mul3A_16, %add3A_20 : vector<512x64xf32>
    %swap3A = arith.constant 0 : index
    %swap3A_22 = arith.constant 0 : index
    %swap3A_23 = vector.load %arg5[%swap3A, %swap3A_22] : memref<512x64xf32, #tpu.memory_space<vmem>>, vector<512x64xf32>
    tpu.vector_store %arg5[%swap3A, %swap3A_22], %add3A_21 {strides = array<i32>} : memref<512x64xf32, #tpu.memory_space<vmem>>, vector<512x64xf32>,
    return
  }
  func.func @transform_0(%arg0: i32) -> (i32, i32, i32) {
    %c0_i32 = arith.constant 0 : i32
    %c0_i32_0 = arith.constant 0 : i32
    %c0_i32_1 = arith.constant 0 : i32
    return %c0_i32, %arg0, %c0_i32_0 : i32, i32, i32
  }
  func.func @transform_1(%arg0: i32) -> (i32, i32) {
    %c0_i32 = arith.constant 0 : i32
    %c0_i32_0 = arith.constant 0 : i32
    return %arg0, %c0_i32 : i32, i32
  }
  func.func @transform_2(%arg0: i32) -> (i32, i32) {
    %c0_i32 = arith.constant 0 : i32
    %c0_i32_0 = arith.constant 0 : i32
    return %arg0, %c0_i32 : i32, i32
  }
  func.func @transform_3(%arg0: i32) -> (i32, i32) {
    %c0_i32 = arith.constant 0 : i32
    %c0_i32_0 = arith.constant 0 : i32
    %c0_i32_1 = arith.constant 0 : i32
    return %c0_i32, %c0_i32_0 : i32, i32
  }
  func.func @transform_4(%arg0: i32) -> (i32, i32) {
    %c0_i32 = arith.constant 0 : i32
    %c0_i32_0 = arith.constant 0 : i32
    return %arg0, %c0_i32 : i32, i32
  }
}

</mosaic_0001>

<sc_bundles>
// kernel: kernel.12.cloned.1.call-start
scs
__scs_entry_jumppad:
0x0: {  	(pc) =	sbr.rel $0x88, $3  }
0x1: {  	(tag) =	ssettag $0x0;
	lr =	simm.s32 $0x1  }
0x2: {  	[smem:$0x3F9B] =	sst lr;
	_ =	strace $0xD0000000  }
0x3: {  	_ = 	snop  }
0x4: {  	_ = 	snop  }
0x5: {  	_ = 	snop  }
0x6: {  	_ = 	snop  }
0x7: {  	_ = 	snop  }
__scs_overlays_trampoline_lowered:
0x8: {  	[smem:$0x3FAA] =	sst s0  }
0x9: {  	[smem:$0x3FAB] =	sst s1  }
0xa: {  	[smem:$0x3FAC] =	sst s2  }
0xb: {  	[smem:$0x3FAD] =	sst s3  }
0xc: {  	[smem:$0x3FAE] =	sst s4  }
0xd: {  	[smem:$0x3FAF] =	sst s5  }
0xe: {  	[smem:$0x3FB0] =	sst s6  }
0xf: {  	[smem:$0x3FB1] =	sst s7  }
0x10: {  	[smem:$0x3FB2] =	sst s8  }
0x11: {  	[smem:$0x3FB3] =	sst s9;
	s0 =	simm.s32 @!p0 $0x0  }
0x12: {  	s1 =	sld [smem:$0x3F99];
	s0 =	simm.s32 @p0 $0x1  }
0x13: {  	[smem:$0x3FB4] =	sst s0;
	s0 =	simm.s32 @!p1 $0x0  }
0x14: {  	s2 =	sld [smem:$0x3F98];
	s0 =	simm.s32 @p1 $0x1  }
0x15: {  	[smem:$0x3FB5] =	sst s0;
	s0 =	simm.s32 @!p2 $0x0  }
0x16: {  	s3 =	sld [smem:$0x3FDB];
	s0 =	simm.s32 @p2 $0x1  }
0x17: {  	s4 =	simm.s32 $0x1BF5;
	[smem:$0x3FB7] =	sst s0  }
0x18: {  	s0 =	sld [smem:$0x3F9A];
	_ =	swait.ge [sflag:s4], $0x0  }
0x19: {  	s7 =	sld [smem:$0x3F9B]  }
0x1a: {  	s8 =	sadd.s32 $0xFFFFE003, lr  }
0x1b: {  	s9 =	sadd.s32 $0xFFFFFEF7, lr;
	s5 =	simm.s32 $0xFFFFFFFF;
	p2 =	slt.u32 s8, $0xFFFFF086  }
0x1c: {  	p1 =	slt.u32 s9, $0xF7A;
	s5 =	simm.s32 @!p2 $0x0  }
0x1d: {  	s5 =	simm.s32 @p1 $0x1;
	p0 =	seq.s32 s7, s2  }
0x1e: {  	s7 =	smul.u32 @!p0 $0xF7A, s2;
	p2 =	seq.s32 @!p0 s5, $0x0  }
0x1f: {  	s9 =	smul.u32 $0xF7A, s1;
	s8 =	simm.s32 @!p0 $0x1BF5;
	p2 =	por !p2, p0  }
0x20: {  	[sflag:s8] =	ssyncset.s32 @!p0 $0xFFFFF086;
	s6 =	sadd.s32 @!p0 s3, s7;
	s7 =	simm.s32 @!p0 $0x108  }
0x21: {  	s3 =	sadd.s32 s3, s9;
	s6 =	sadd.s32 @!p0 $0x88, s6;
	s7 =	simm.s32 @p2 $0x1082  }
0x22: {  	[simem:s7], [sflag:s8] =	dma.local @!p0 [hbm:s6], $0xF7A  }
0x23: {  	s9 =	sor.u32 $0xD0000000, s2;
	s6 =	simm.s32 $0x108;
	_ =	swait.ge @!p0 [sflag:s8], $0x0  }
0x24: {  	s3 =	sadd.s32 $0x88, s3;
	s6 =	simm.s32 @!p1 $0x1082;
	[sflag:s4] =	ssyncset.s32 $0xFFFFF086  }
0x25: {  	[simem:s6], [sflag:s4] =	dma.local [hbm:s3], $0xF7A  }
0x26: {  	[smem:$0x3F9B] =	sst s1;
	(tag) =	ssettag s2;
	_ =	strace s9  }
0x27: {  	s1 =	sld [smem:$0x3FAB]  }
0x28: {  	s2 =	sld [smem:$0x3FAC]  }
0x29: {  	s4 =	sld [smem:$0x3FAE]  }
0x2a: {  	p0 =	seq.s32 s5, $0x0;
	s5 =	sld [smem:$0x3FAF]  }
0x2b: {  	s6 =	sld [smem:$0x3FB0]  }
0x2c: {  	s7 =	sld [smem:$0x3FB1]  }
0x2d: {  	s3 =	simm.s32 $0x108;
	s8 =	sld [smem:$0x3FB2]  }
0x2e: {  	s3 =	simm.s32 @!p0 $0x1082;
	s9 =	sld [smem:$0x3FB3]  }
0x2f: {  	lr =	sadd.s32 s0, s3;
	s0 =	sld [smem:$0x3FAA]  }
0x30: {  	s3 =	sld [smem:$0x3FAD]  }
0x31: {  	[smem:$0x3FB6] =	sst s10  }
0x32: {  	s10 =	sld [smem:$0x3FB4];
	_ =	sdelay $0x3  }
0x33: {  	p0 =	seq.s32 s10, $0x1;
	s10 =	sld [smem:$0x3FB6];
	_ =	sdelay $0x3  }
0x34: {  	[smem:$0x3FB6] =	sst s10  }
0x35: {  	s10 =	sld [smem:$0x3FB5];
	_ =	sdelay $0x3  }
0x36: {  	p1 =	seq.s32 s10, $0x1;
	s10 =	sld [smem:$0x3FB6];
	_ =	sdelay $0x3  }
0x37: {  	[smem:$0x3FB6] =	sst s10  }
0x38: {  	s10 =	sld [smem:$0x3FB7]  }
0x39: {  	_ = 	snop;
	(pc) =	sbr.ind lr, $3  }
0x3a: {  	_ = 	snop  }
0x3b: {  	_ = 	snop  }
0x3c: {  	p2 =	seq.s32 s10, $0x1;
	s10 =	sld [smem:$0x3FB6]  }
0x3d: {  	_ =	shalt  }
0x3e: {  	_ =	shalt  }
0x3f: {  	_ =	shalt  }
0x40: {  	_ =	shalt  }
0x41: {  	_ =	shalt  }
0x42: {  	_ =	shalt  }
0x43: {  	_ =	shalt  }
0x44: {  	_ =	shalt  }
0x45: {  	_ =	shalt  }
0x46: {  	_ =	shalt  }
0x47: {  	_ =	shalt  }
0x48: {  	_ =	shalt  }
0x49: {  	_ =	shalt  }
0x4a: {  	_ =	shalt  }
0x4b: {  	_ =	shalt  }
0x4c: {  	_ =	shalt  }
0x4d: {  	_ =	shalt  }
0x4e: {  	_ =	shalt  }
0x4f: {  	_ =	shalt  }
0x50: {  	_ =	shalt  }
0x51: {  	_ =	shalt  }
0x52: {  	_ =	shalt  }
0x53: {  	_ =	shalt  }
0x54: {  	_ =	shalt  }
0x55: {  	_ =	shalt  }
0x56: {  	_ =	shalt  }
0x57: {  	_ =	shalt  }
0x58: {  	_ =	shalt  }
0x59: {  	_ =	shalt  }
0x5a: {  	_ =	shalt  }
0x5b: {  	_ =	shalt  }
0x5c: {  	_ =	shalt  }
0x5d: {  	_ =	shalt  }
0x5e: {  	_ =	shalt  }
0x5f: {  	_ =	shalt  }
0x60: {  	_ =	shalt  }
0x61: {  	_ =	shalt  }
0x62: {  	_ =	shalt  }
0x63: {  	_ =	shalt  }
0x64: {  	_ =	shalt  }
0x65: {  	_ =	shalt  }
0x66: {  	_ =	shalt  }
0x67: {  	_ =	shalt  }
0x68: {  	_ =	shalt  }
0x69: {  	_ =	shalt  }
0x6a: {  	_ =	shalt  }
0x6b: {  	_ =	shalt  }
0x6c: {  	_ =	shalt  }
0x6d: {  	_ =	shalt  }
0x6e: {  	_ =	shalt  }
0x6f: {  	_ =	shalt  }
0x70: {  	_ =	shalt  }
0x71: {  	_ =	shalt  }
0x72: {  	_ =	shalt  }
0x73: {  	_ =	shalt  }
0x74: {  	_ =	shalt  }
0x75: {  	_ =	shalt  }
0x76: {  	_ =	shalt  }
0x77: {  	_ =	shalt  }
0x78: {  	_ =	shalt  }
0x79: {  	_ =	shalt  }
0x7a: {  	_ =	shalt  }
0x7b: {  	_ =	shalt  }
0x7c: {  	_ =	shalt  }
0x7d: {  	_ =	shalt  }
0x7e: {  	_ =	shalt  }
0x7f: {  	_ =	shalt  }
0x80: {  	_ =	shalt  }
0x81: {  	_ =	shalt  }
0x82: {  	_ =	shalt  }
0x83: {  	_ =	shalt  }
0x84: {  	_ =	shalt  }
0x85: {  	_ =	shalt  }
0x86: {  	_ =	shalt  }
0x87: {  	_ =	shalt  }
.Lfunc_end0:
.L_simem_size_0:
called_computation.1_lowered:
.L_overlay_start_0:
0x88: {  	s2 =	sld [smem:$0x3FD9]  }
0x89: {  	s3 =	sld [smem:$0x3FFE];
	_ =	sdelay $0x1  }
0x8a: {  	s1 =	srdreg.scid  }
0x8b: {  	s0 =	sand.u32 $0x1, s1  }
0x8c: {  	s17 =	sshll.u32 s0, $0xA;
	s2 =	sadd.s32 s3, s2  }
0x8d: {  	s2 =	sadd.s32 s2, s17  }
0x8e: {  	[smem:$0x3FC2] =	sst s2  }
0x8f: {  	_ = 	snop  }
0x90: {  	s2 =	sld [smem:$0x3FD0];
	(tm) =	ssettm $0x1  }
0x91: {  	s18 =	sld [smem:$0x3FFB];
	_ =	sdelay $0x3  }
0x92: {  	_ =	strace s18  }
0x93: {  	s3 =	sld [smem:$0x3FFC];
	_ =	sdelay $0x3  }
0x94: {  	_ =	strace s3  }
0x95: {  	s3 =	sld [smem:$0x3FFD];
	_ =	sdelay $0x3  }
0x96: {  	_ =	strace s3  }
0x97: {  	_ =	strace $0x8FFFFFFF  }
0x98: {  	s19 =	sld [smem:$0x3FDB];
	_ =	sdelay $0x1  }
0x99: {  	s4 =	simm.s32 $_scs_section_size  }
0x9a: {  	s5 =	simm.s32 $_size__tile_overlayer_lowered;
	s6 =	simm.s32 $_tile_overlayer_lowered  }
0x9b: {  	s22 =	simm.s32 $0x1BFF;
	s21 =	sshll.u32 s6, $0x1;
	s3 =	sadd.s32 s4, s19  }
0x9c: {  	s7 =	simm.s32 $0x0;
	s20 =	sshll.u32 s5, $0x1;
	s5 =	sadd.s32 s21, s3  }
0x9d: {  	[timem:s7], [sflag:s22] =	dma.local [hbm:s5], s20  }
0x9e: {  	_ =	swait.ge [sflag:s22], s20  }
0x9f: {  	s4 =	ssub.s32 $0x0, s20;
	[sflag:s22] =	ssyncset.done $0x0  }
0xa0: {  	[sflag:s22] =	ssyncadd.s32 s4;
	_ =	sdelay $0x1  }
0xa1: {  	s23 =	simm.s32 $0x1B8B  }
0xa2: {  	_ =	swait.ge [sflag:s23], $0x1  }
0xa3: {  	[sflag:s23] =	ssyncset.done $0x0  }
0xa4: {  	s25 =	simm.s32 $0x1B8E;
	s24 =	sld [smem:$0x3FFE];
	[sflag:s23] =	ssyncadd.s32 $0xFFFFFFFF  }
0xa5: {  	s26 =	simm.s32 $execute0_lowered;
	[smem:$0x3FD2] =	sst s25  }
0xa6: {  	s5 =	sshll.u32 s26, $0x1;
	_ =	strace $0x80000049;
	[dreg:$0x1] =	wrdreg $0xFFFFFFFF  }
0xa7: {  	s28 =	simm.s32 $_size_execute0_lowered;
	s3 =	sadd.s32 s3, s5;
	[dreg:$0x0] =	wrdreg $0x0  }
0xa8: {  	s5 =	sshll.u32 s28, $0x1;
	[dreg:$0x2] =	wrdreg s3  }
0xa9: {  	[dreg:$0x3] =	wrdreg s5  }
0xaa: {  	[dreg:$0x4] =	wrdreg $0xC0  }
0xab: {  	_ =	task [dreg:s7], $0x5FFFF  }
0xac: {  	[dreg:$0x1] =	wrdreg $0xFFFFFFFF  }
0xad: {  	[dreg:$0x0] =	wrdreg $0x60  }
0xae: {  	[dreg:$0x2] =	wrdreg s2  }
0xaf: {  	[dreg:$0x3] =	wrdreg s24  }
0xb0: {  	[dreg:$0x4] =	wrdreg $0x90000  }
0xb1: {  	[dreg:$0x5] =	wrdreg $0x9  }
0xb2: {  	_ =	task.clear_ibuf [dreg:s7], $0x6FFFF;
	_ =	strace $0x90000049  }
0xb3: {  	s29 =	simm.s32 $0x9;
	_ =	strace $0x8000004B  }
0xb4: {  	_ =	swait.ge [sflag:s29], $0x1  }
0xb5: {  	[sflag:s29] =	ssyncadd.s32 $0xFFFFFFFF  }
0xb6: {  	_ =	strace $0x9000004B  }
0xb7: {  	_ =	sfence  }
0xb8: {  	s30 =	sld [smem:$0x0];
	_ =	sdelay $0x2  }
0xb9: {  	s31 =	sshll.u32 s1, $0xD;
	s1 =	sshrl.u32 s1, $0x2  }
0xba: {  	s3 =	sand.u32 $0x4000, s31;
	s1 =	sadd.s32 s1, s30  }
0xbb: {  	s0 =	sor.u32 s3, s0;
	s1 =	sshll.u32 s1, $0x11  }
0xbc: {  	s0 =	sor.u32 s1, s0  }
0xbd: {  	s0 =	sadd.s32 $0x8F2B, s0  }
0xbe: {  	[sflag:s0] =	ssyncadd.remote.s32 $0x1  }
0xbf: {  	_ =	sfence.sel $0xFFFF  }
0xc0: {  	[dreg:$0x0] =	wrdreg $0xFFFFFFFF;
	(pc) =	sbr.abs _section_cstart, $3  }
0xc1: {  	[dreg:$0x1] =	wrdreg $0xFFFFFFFF  }
0xc2: {  	_ =	task.clear_ibuf [dreg:s7], $0x2FFFF;
	_ =	strace $0x9FFFFFFF  }
0xc3: {  	(tm) =	ssettm $0x7FFFFFFF  }
tec
execute0_lowered:
.L_overlay_start_1:
0x0: {  	(tag) =	ssettag $0x1  }
0x1: {  	s10 =	rddreg [dreg:$0x0]  }
0x2: {  	s1 =	srdreg.scid;
	s6 =	rddreg [dreg:$0x1]  }
0x3: {  	s0 =	stileid.u32;
	s2 =	rddreg [dreg:$0x2];
	s3 =	simm.s32 $0x0  }
0x4: {  	s15 =	simm.s32 $0x2;
	s16 =	simm.s32 $0x2800;
	s17 =	simm.s32 $0x80  }
0x5: {  	s18 =	simm.s32 $0x1;
	s5 =	sand.u32 $0x1, s1;
	s7 =	smul.u32 $0x14000, s0  }
0x6: {  	s29 =	sshll.u32 s0, $0x1;
	[smem:$0x7FF] =	sst s3;
	s9 =	smul.u32 $0x50000, s0  }
0x7: {  	s19 =	sshll.u32 s0, $0x6;
	s1 =	sor.u32 s5, s29;
	s4 =	smul.u32 $0x140000, s5  }
0x8: {  	s5 =	ssub.s32 $0x2, s5;
	s19 =	sor.u32 $0x1C02, s19;
	s11 =	smul.u32 $0x500, s1  }
0x9: {  	s1 =	rddreg [dreg:$0x3];
	_ =	strace $0x8000004A;
	s30 =	sshrl.u32 s5, $0x1  }
0xa: {  	s31 =	sshrl.u32 s9, $0x2;
	s8 =	sadd.s32 s7, s4;
	s4 =	sadd.s32 $0x16000, s6  }
0xb: {  	s14 =	ssub.s32 s5, s30;
	s5 =	sadd.s32 s7, s2;
	s9 =	sadd.s32 s31, s2  }
0xc: {  	s12 =	sadd.s32 s11, s6;
	s8 =	sshrl.u32 s8, $0x3;
	s7 =	sadd.s32 $0x8000, s9  }
0xd: {  	s10 =	sadd.s32 s10, s11;
	s13 =	sadd.s32 s8, s6;
	s6 =	sadd.s32 $0x4000, s9  }
0xe: {  	s8 =	sadd.s32 $0xC000, s9;
	s9 =	sadd.s32 $0x10000, s9;
	s11 =	sadd.s32 $0xC000, s12  }
0xf: {  	v0 =	vimm.f32 $0.0e+00;
	s12 =	sadd.s32 $0x3E000, s13;
	s13 =	smax.u32 s14, $0x1;
	s14 =	simm.s32 $0x5000  }
.LBB2_1:
0x10: {  	s20 =	simm.s32 $0x0;
	s21 =	simm.s32 $0x200  }
.LBB2_2:
0x11: {  	p0 =	sne.s32 s21, $0xFE00;
	[tilespmem:s20+$0x5070] =	vst v0  }
0x12: {  	[tilespmem:s20+$0x5000] =	vst v0  }
0x13: {  	[tilespmem:s20+$0x5010] =	vst v0  }
.Ltmp0:
0x14: {  	[tilespmem:s20+$0x5020] =	vst v0;
	(pc) =	sbr.rel @p0 .LBB2_2-.Ltmp0, $4  }
0x15: {  	[tilespmem:s20+$0x5030] =	vst v0  }
0x16: {  	[tilespmem:s20+$0x5040] =	vst v0  }
0x17: {  	[tilespmem:s20+$0x5050] =	vst v0  }
0x18: {  	[tilespmem:s20+$0x5060] =	vst v0;
	s20 =	sshra.s32 s21, $0x2;
	s21 =	sadd.s32 $0x200, s21  }
0x19: {  	[tilespmem:s20+$0x5070] =	vst v0  }
0x1a: {  	[tilespmem:s20+$0x5000] =	vst v0  }
0x1b: {  	[tilespmem:s20+$0x5010] =	vst v0  }
0x1c: {  	[tilespmem:s20+$0x5020] =	vst v0  }
0x1d: {  	[tilespmem:s20+$0x5030] =	vst v0  }
0x1e: {  	[tilespmem:s20+$0x5040] =	vst v0  }
0x1f: {  	[tilespmem:s20+$0x5050] =	vst v0  }
0x20: {  	[tilespmem:s20+$0x5060] =	vst v0  }
0x21: {  	[spmem:s5] =	stream.linear.scatter [tilespmem:s14], [sflag:$0x2], $0x4000, $0x38;
	[tilespmem:$0x1D000] =	vst v63  }
0x22: {  	_ =	swait.ge [sflag:s15], $0x4000  }
0x23: {  	[sflag:s15] =	ssyncset.done $0x0  }
0x24: {  	[sflag:s15] =	ssyncadd.s32 $0xFFFFC000  }
0x25: {  	[spmem:s6] =	stream.linear.scatter [tilespmem:s14], [sflag:$0x2], $0x4000, $0x38;
	[tilespmem:$0x1D000] =	vst v63  }
0x26: {  	_ =	swait.ge [sflag:s15], $0x4000  }
0x27: {  	[sflag:s15] =	ssyncset.done $0x0  }
0x28: {  	[sflag:s15] =	ssyncadd.s32 $0xFFFFC000  }
0x29: {  	[spmem:s7] =	stream.linear.scatter [tilespmem:s14], [sflag:$0x2], $0x4000, $0x38;
	[tilespmem:$0x1D000] =	vst v63  }
0x2a: {  	_ =	swait.ge [sflag:s15], $0x4000  }
0x2b: {  	[sflag:s15] =	ssyncset.done $0x0  }
0x2c: {  	[sflag:s15] =	ssyncadd.s32 $0xFFFFC000  }
0x2d: {  	[spmem:s8] =	stream.linear.scatter [tilespmem:s14], [sflag:$0x2], $0x4000, $0x38;
	[tilespmem:$0x1D000] =	vst v63  }
0x2e: {  	_ =	swait.ge [sflag:s15], $0x4000  }
0x2f: {  	[sflag:s15] =	ssyncset.done $0x0  }
0x30: {  	[sflag:s15] =	ssyncadd.s32 $0xFFFFC000  }
0x31: {  	[spmem:s9] =	stream.linear.scatter [tilespmem:s14], [sflag:$0x2], $0x4000, $0x38;
	[tilespmem:$0x1D000] =	vst v63  }
0x32: {  	_ =	swait.ge [sflag:s15], $0x4000  }
0x33: {  	[sflag:s15] =	ssyncset.done $0x0  }
0x34: {  	[sflag:s15] =	ssyncadd.s32 $0xFFFFC000  }
0x35: {  	s29 =	simm.s32 $0x0;
	[bflag:$0x0] =	sbarrier.arrive $0xFFFF  }
0x36: {  	[tilespmem:s29], [sflag:$0x2] =	stream.linear.gather [hbm4b:s10+s29], $0x2800, $0x38;
	[tilespmem:$0x1D000] =	vst v63  }
0x37: {  	_ =	swait.ge [sflag:s15], $0x2800  }
0x38: {  	[sflag:s15] =	ssyncset.done $0x0  }
0x39: {  	[sflag:s15] =	ssyncadd.s32 $0xFFFFD800  }
0x3a: {  	[tilespmem:s16], [sflag:$0x2] =	stream.linear.gather [hbm4b:s11+s29], $0x2800, $0x38;
	[tilespmem:$0x1D000] =	vst v63  }
0x3b: {  	_ =	swait.ge [sflag:s15], $0x2800  }
0x3c: {  	[sflag:s15] =	ssyncset.done $0x0  }
0x3d: {  	s30 =	simm.s32 $0x0;
	[sflag:s15] =	ssyncadd.s32 $0xFFFFD800  }
0x3e: {  	[tilespmem:s14], [sflag:$0x1] =	stream.indirect.gather [hbm4b:s4+s17], $0x80, s30, s17, $0xb8;
	[tilespmem:$0x1D000] =	vst v63  }
0x3f: {  	_ =	swait.ge [sflag:s18], $0x4000  }
0x40: {  	[sflag:s18] =	ssyncset.done $0x0  }
0x41: {  	s31 =	simm.s32 $0x2800;
	[sflag:s18] =	ssyncadd.s32 $0xFFFFC000  }
0x42: {  	[spmem:s2] =	stream.indirect.scatter.add.f32 [tilespmem:s14], [sflag:$0x2], $0x80, s31, s17, $0xb8;
	[tilespmem:$0x1D000] =	vst v63  }
0x43: {  	_ =	swait.ge [sflag:s15], $0x4000  }
0x44: {  	s20 =	simm.s32 $0x200;
	s21 =	simm.s32 $0x400;
	[sflag:s15] =	ssyncset.done $0x0  }
.LBB2_4:
0x45: {  	s22 =	sshra.s32 s20, $0x2  }
0x46: {  	[sflag:s15] =	ssyncadd.s32 $0xFFFFC000;
	s20 =	smov.u32 s21;
	s23 =	sadd.s32 $0x200, s21  }
0x47: {  	[tilespmem:s14], [sflag:$0x1] =	stream.indirect.gather [hbm4b:s4+s17], $0x80, s22, s17, $0xb8;
	[tilespmem:$0x1D000] =	vst v63  }
0x48: {  	p0 =	sne.s32 s21, $0x9E00;
	_ =	swait.ge [sflag:s18], $0x4000  }
.Ltmp1:
0x49: {  	[sflag:s18] =	ssyncset.done $0x0;
	(pc) =	sbr.rel @p0 .LBB2_4-.Ltmp1, $4  }
0x4a: {  	s21 =	sadd.s32 $0x2800, s22;
	[sflag:s18] =	ssyncadd.s32 $0xFFFFC000  }
0x4b: {  	[spmem:s2] =	stream.indirect.scatter.add.f32 [tilespmem:s14], [sflag:$0x2], $0x80, s21, s17, $0xb8;
	[tilespmem:$0x1D000] =	vst v63  }
0x4c: {  	_ =	swait.ge [sflag:s15], $0x4000  }
0x4d: {  	s21 =	smov.u32 s23;
	[sflag:s15] =	ssyncset.done $0x0  }
0x4e: {  	s20 =	sshra.s32 s20, $0x2;
	[sflag:s15] =	ssyncadd.s32 $0xFFFFC000  }
0x4f: {  	[tilespmem:s14], [sflag:$0x1] =	stream.indirect.gather [hbm4b:s4+s17], $0x80, s20, s17, $0xb8;
	[tilespmem:$0x1D000] =	vst v63  }
0x50: {  	_ =	swait.ge [sflag:s18], $0x4000  }
0x51: {  	[sflag:s18] =	ssyncset.done $0x0  }
0x52: {  	s20 =	sadd.s32 $0x2800, s20;
	[sflag:s18] =	ssyncadd.s32 $0xFFFFC000  }
0x53: {  	[spmem:s2] =	stream.indirect.scatter.add.f32 [tilespmem:s14], [sflag:$0x2], $0x80, s20, s17, $0xb8;
	[tilespmem:$0x1D000] =	vst v63  }
0x54: {  	_ =	swait.ge [sflag:s15], $0x4000  }
0x55: {  	s3 =	sadd.s32 $0x1, s3;
	[sflag:s15] =	ssyncset.done $0x0  }
0x56: {  	p0 =	sne.s32 s3, s13;
	[sflag:s15] =	ssyncadd.s32 $0xFFFFC000  }
.Ltmp2:
0x57: {  	s31 =	sshrl.u32 s5, $0x3;
	[bflag:$0x0] =	sbarrier.arrive $0xFFFF;
	(pc) =	sbr.rel @p0 .LBB2_1-.Ltmp2, $4  }
0x58: {  	[hbm:s12], [sflag:s19] =	dma.local [spmem:s31], $0x2800  }
0x59: {  	_ =	swait.ge [sflag:s15], $0x2800  }
0x5a: {  	[sflag:s15] =	ssyncset.done $0x0  }
0x5b: {  	[sflag:s15] =	ssyncadd.s32 $0xFFFFD800  }
0x5c: {  	_ =	sfence.sel $0x180000  }
0x5d: {  	[bflag:$0x0] =	sbarrier.arrive $0xFFFF  }
0x5e: {  	p0 =	sne.s32 s0, $0x0;
	_ =	strace $0x9000004A  }
0x5f: {  	s0 =	sadd.s32 @!p0 $0x100000, s1;
	[bflag:$0x2] =	sbarrier.arrive $0xFFFF  }
0x60: {  	[sflag:s0] =	ssyncadd.tile.s32 @!p0 $0x1;
	_ =	shalt  }
.Lfunc_end2:
_tile_overlayer_lowered:
.L_overlay_start_2:
0x61: {  	(tag) =	ssettag $0x2  }
0x62: {  	s0 =	rddreg [dreg:$0x0];
	s2 =	stileid.u32  }
0x63: {  	s1 =	rddreg [dreg:$0x1];
	p0 =	sne.s32 s2, $0x0  }
0x64: {  	s3 =	rddreg [dreg:$0x2];
	[bflag:$0x3] =	sbarrier.arrive $0xFFFF;
	s2 =	simm.s32 @!p0 $0x1C02  }
0x65: {  	[timem:s3], [sflag:s2] =	dma.local @!p0 [hbm:s0], s1  }
0x66: {  	s0 =	simm.s32 @!p0 $0x2  }
0x67: {  	_ =	swait.ge @!p0 [sflag:s0], s1  }
0x68: {  	s1 =	ssub.s32 @!p0 $0x0, s1;
	[sflag:s0] =	ssyncset.done @!p0 $0x0  }
0x69: {  	[sflag:s0] =	ssyncadd.s32 @!p0 s1  }
0x6a: {  	[bflag:$0x3] =	sbarrier.arrive $0xFFFF  }
0x6b: {  	_ =	shalt  }

// kernel: kernel.15.cloned.1.call-start
scs
__scs_entry_jumppad:
0x0: {  	(pc) =	sbr.rel $0x88, $3  }
0x1: {  	(tag) =	ssettag $0x0;
	lr =	simm.s32 $0x1  }
0x2: {  	[smem:$0x3F9B] =	sst lr;
	_ =	strace $0xD0000000  }
0x3: {  	_ = 	snop  }
0x4: {  	_ = 	snop  }
0x5: {  	_ = 	snop  }
0x6: {  	_ = 	snop  }
0x7: {  	_ = 	snop  }
__scs_overlays_trampoline_lowered:
0x8: {  	[smem:$0x3FAA] =	sst s0  }
0x9: {  	[smem:$0x3FAB] =	sst s1  }
0xa: {  	[smem:$0x3FAC] =	sst s2  }
0xb: {  	[smem:$0x3FAD] =	sst s3  }
0xc: {  	[smem:$0x3FAE] =	sst s4  }
0xd: {  	[smem:$0x3FAF] =	sst s5  }
0xe: {  	[smem:$0x3FB0] =	sst s6  }
0xf: {  	[smem:$0x3FB1] =	sst s7  }
0x10: {  	[smem:$0x3FB2] =	sst s8  }
0x11: {  	[smem:$0x3FB3] =	sst s9;
	s0 =	simm.s32 @!p0 $0x0  }
0x12: {  	s1 =	sld [smem:$0x3F99];
	s0 =	simm.s32 @p0 $0x1  }
0x13: {  	[smem:$0x3FB4] =	sst s0;
	s0 =	simm.s32 @!p1 $0x0  }
0x14: {  	s2 =	sld [smem:$0x3F98];
	s0 =	simm.s32 @p1 $0x1  }
0x15: {  	[smem:$0x3FB5] =	sst s0;
	s0 =	simm.s32 @!p2 $0x0  }
0x16: {  	s3 =	sld [smem:$0x3FDB];
	s0 =	simm.s32 @p2 $0x1  }
0x17: {  	s4 =	simm.s32 $0x1BF5;
	[smem:$0x3FB7] =	sst s0  }
0x18: {  	s0 =	sld [smem:$0x3F9A];
	_ =	swait.ge [sflag:s4], $0x0  }
0x19: {  	s7 =	sld [smem:$0x3F9B]  }
0x1a: {  	s8 =	sadd.s32 $0xFFFFE003, lr  }
0x1b: {  	s9 =	sadd.s32 $0xFFFFFEF7, lr;
	s5 =	simm.s32 $0xFFFFFFFF;
	p2 =	slt.u32 s8, $0xFFFFF086  }
0x1c: {  	p1 =	slt.u32 s9, $0xF7A;
	s5 =	simm.s32 @!p2 $0x0  }
0x1d: {  	s5 =	simm.s32 @p1 $0x1;
	p0 =	seq.s32 s7, s2  }
0x1e: {  	s7 =	smul.u32 @!p0 $0xF7A, s2;
	p2 =	seq.s32 @!p0 s5, $0x0  }
0x1f: {  	s9 =	smul.u32 $0xF7A, s1;
	s8 =	simm.s32 @!p0 $0x1BF5;
	p2 =	por !p2, p0  }
0x20: {  	[sflag:s8] =	ssyncset.s32 @!p0 $0xFFFFF086;
	s6 =	sadd.s32 @!p0 s3, s7;
	s7 =	simm.s32 @!p0 $0x108  }
0x21: {  	s3 =	sadd.s32 s3, s9;
	s6 =	sadd.s32 @!p0 $0x88, s6;
	s7 =	simm.s32 @p2 $0x1082  }
0x22: {  	[simem:s7], [sflag:s8] =	dma.local @!p0 [hbm:s6], $0xF7A  }
0x23: {  	s9 =	sor.u32 $0xD0000000, s2;
	s6 =	simm.s32 $0x108;
	_ =	swait.ge @!p0 [sflag:s8], $0x0  }
0x24: {  	s3 =	sadd.s32 $0x88, s3;
	s6 =	simm.s32 @!p1 $0x1082;
	[sflag:s4] =	ssyncset.s32 $0xFFFFF086  }
0x25: {  	[simem:s6], [sflag:s4] =	dma.local [hbm:s3], $0xF7A  }
0x26: {  	[smem:$0x3F9B] =	sst s1;
	(tag) =	ssettag s2;
	_ =	strace s9  }
0x27: {  	s1 =	sld [smem:$0x3FAB]  }
0x28: {  	s2 =	sld [smem:$0x3FAC]  }
0x29: {  	s4 =	sld [smem:$0x3FAE]  }
0x2a: {  	p0 =	seq.s32 s5, $0x0;
	s5 =	sld [smem:$0x3FAF]  }
0x2b: {  	s6 =	sld [smem:$0x3FB0]  }
0x2c: {  	s7 =	sld [smem:$0x3FB1]  }
0x2d: {  	s3 =	simm.s32 $0x108;
	s8 =	sld [smem:$0x3FB2]  }
0x2e: {  	s3 =	simm.s32 @!p0 $0x1082;
	s9 =	sld [smem:$0x3FB3]  }
0x2f: {  	lr =	sadd.s32 s0, s3;
	s0 =	sld [smem:$0x3FAA]  }
0x30: {  	s3 =	sld [smem:$0x3FAD]  }
0x31: {  	[smem:$0x3FB6] =	sst s10  }
0x32: {  	s10 =	sld [smem:$0x3FB4];
	_ =	sdelay $0x3  }
0x33: {  	p0 =	seq.s32 s10, $0x1;
	s10 =	sld [smem:$0x3FB6];
	_ =	sdelay $0x3  }
0x34: {  	[smem:$0x3FB6] =	sst s10  }
0x35: {  	s10 =	sld [smem:$0x3FB5];
	_ =	sdelay $0x3  }
0x36: {  	p1 =	seq.s32 s10, $0x1;
	s10 =	sld [smem:$0x3FB6];
	_ =	sdelay $0x3  }
0x37: {  	[smem:$0x3FB6] =	sst s10  }
0x38: {  	s10 =	sld [smem:$0x3FB7]  }
0x39: {  	_ = 	snop;
	(pc) =	sbr.ind lr, $3  }
0x3a: {  	_ = 	snop  }
0x3b: {  	_ = 	snop  }
0x3c: {  	p2 =	seq.s32 s10, $0x1;
	s10 =	sld [smem:$0x3FB6]  }
0x3d: {  	_ =	shalt  }
0x3e: {  	_ =	shalt  }
0x3f: {  	_ =	shalt  }
0x40: {  	_ =	shalt  }
0x41: {  	_ =	shalt  }
0x42: {  	_ =	shalt  }
0x43: {  	_ =	shalt  }
0x44: {  	_ =	shalt  }
0x45: {  	_ =	shalt  }
0x46: {  	_ =	shalt  }
0x47: {  	_ =	shalt  }
0x48: {  	_ =	shalt  }
0x49: {  	_ =	shalt  }
0x4a: {  	_ =	shalt  }
0x4b: {  	_ =	shalt  }
0x4c: {  	_ =	shalt  }
0x4d: {  	_ =	shalt  }
0x4e: {  	_ =	shalt  }
0x4f: {  	_ =	shalt  }
0x50: {  	_ =	shalt  }
0x51: {  	_ =	shalt  }
0x52: {  	_ =	shalt  }
0x53: {  	_ =	shalt  }
0x54: {  	_ =	shalt  }
0x55: {  	_ =	shalt  }
0x56: {  	_ =	shalt  }
0x57: {  	_ =	shalt  }
0x58: {  	_ =	shalt  }
0x59: {  	_ =	shalt  }
0x5a: {  	_ =	shalt  }
0x5b: {  	_ =	shalt  }
0x5c: {  	_ =	shalt  }
0x5d: {  	_ =	shalt  }
0x5e: {  	_ =	shalt  }
0x5f: {  	_ =	shalt  }
0x60: {  	_ =	shalt  }
0x61: {  	_ =	shalt  }
0x62: {  	_ =	shalt  }
0x63: {  	_ =	shalt  }
0x64: {  	_ =	shalt  }
0x65: {  	_ =	shalt  }
0x66: {  	_ =	shalt  }
0x67: {  	_ =	shalt  }
0x68: {  	_ =	shalt  }
0x69: {  	_ =	shalt  }
0x6a: {  	_ =	shalt  }
0x6b: {  	_ =	shalt  }
0x6c: {  	_ =	shalt  }
0x6d: {  	_ =	shalt  }
0x6e: {  	_ =	shalt  }
0x6f: {  	_ =	shalt  }
0x70: {  	_ =	shalt  }
0x71: {  	_ =	shalt  }
0x72: {  	_ =	shalt  }
0x73: {  	_ =	shalt  }
0x74: {  	_ =	shalt  }
0x75: {  	_ =	shalt  }
0x76: {  	_ =	shalt  }
0x77: {  	_ =	shalt  }
0x78: {  	_ =	shalt  }
0x79: {  	_ =	shalt  }
0x7a: {  	_ =	shalt  }
0x7b: {  	_ =	shalt  }
0x7c: {  	_ =	shalt  }
0x7d: {  	_ =	shalt  }
0x7e: {  	_ =	shalt  }
0x7f: {  	_ =	shalt  }
0x80: {  	_ =	shalt  }
0x81: {  	_ =	shalt  }
0x82: {  	_ =	shalt  }
0x83: {  	_ =	shalt  }
0x84: {  	_ =	shalt  }
0x85: {  	_ =	shalt  }
0x86: {  	_ =	shalt  }
0x87: {  	_ =	shalt  }
.Lfunc_end0:
.L_simem_size_0:
called_computation.2_lowered:
.L_overlay_start_0:
0x88: {  	s2 =	sld [smem:$0x3FD9]  }
0x89: {  	s3 =	sld [smem:$0x3FFE];
	_ =	sdelay $0x1  }
0x8a: {  	s1 =	srdreg.scid  }
0x8b: {  	s0 =	sand.u32 $0x1, s1  }
0x8c: {  	s17 =	sshll.u32 s0, $0xA;
	s2 =	sadd.s32 s3, s2  }
0x8d: {  	s2 =	sadd.s32 s2, s17  }
0x8e: {  	[smem:$0x3FC2] =	sst s2  }
0x8f: {  	_ = 	snop  }
0x90: {  	s2 =	sld [smem:$0x3FD0];
	(tm) =	ssettm $0x1  }
0x91: {  	s18 =	sld [smem:$0x3FFB];
	_ =	sdelay $0x3  }
0x92: {  	_ =	strace s18  }
0x93: {  	s3 =	sld [smem:$0x3FFC];
	_ =	sdelay $0x3  }
0x94: {  	_ =	strace s3  }
0x95: {  	s3 =	sld [smem:$0x3FFD];
	_ =	sdelay $0x3  }
0x96: {  	_ =	strace s3  }
0x97: {  	_ =	strace $0x8FFFFFFF  }
0x98: {  	s19 =	sld [smem:$0x3FDB];
	_ =	sdelay $0x1  }
0x99: {  	s4 =	simm.s32 $_scs_section_size  }
0x9a: {  	s5 =	simm.s32 $_size__tile_overlayer_lowered;
	s6 =	simm.s32 $_tile_overlayer_lowered  }
0x9b: {  	s22 =	simm.s32 $0x1BFF;
	s21 =	sshll.u32 s6, $0x1;
	s3 =	sadd.s32 s4, s19  }
0x9c: {  	s7 =	simm.s32 $0x0;
	s20 =	sshll.u32 s5, $0x1;
	s5 =	sadd.s32 s21, s3  }
0x9d: {  	[timem:s7], [sflag:s22] =	dma.local [hbm:s5], s20  }
0x9e: {  	_ =	swait.ge [sflag:s22], s20  }
0x9f: {  	s4 =	ssub.s32 $0x0, s20;
	[sflag:s22] =	ssyncset.done $0x0  }
0xa0: {  	[sflag:s22] =	ssyncadd.s32 s4;
	_ =	sdelay $0x1  }
0xa1: {  	s23 =	simm.s32 $0x1B8B  }
0xa2: {  	_ =	swait.ge [sflag:s23], $0x1  }
0xa3: {  	[sflag:s23] =	ssyncset.done $0x0  }
0xa4: {  	s25 =	simm.s32 $0x1B8E;
	s24 =	sld [smem:$0x3FFE];
	[sflag:s23] =	ssyncadd.s32 $0xFFFFFFFF  }
0xa5: {  	s26 =	simm.s32 $execute0_lowered;
	[smem:$0x3FD2] =	sst s25  }
0xa6: {  	s5 =	sshll.u32 s26, $0x1;
	_ =	strace $0x8000004C;
	[dreg:$0x1] =	wrdreg $0xFFFFFFFF  }
0xa7: {  	s28 =	simm.s32 $_size_execute0_lowered;
	s3 =	sadd.s32 s3, s5;
	[dreg:$0x0] =	wrdreg $0x0  }
0xa8: {  	s5 =	sshll.u32 s28, $0x1;
	[dreg:$0x2] =	wrdreg s3  }
0xa9: {  	[dreg:$0x3] =	wrdreg s5  }
0xaa: {  	[dreg:$0x4] =	wrdreg $0xC0  }
0xab: {  	_ =	task [dreg:s7], $0x5FFFF  }
0xac: {  	[dreg:$0x1] =	wrdreg $0xFFFFFFFF  }
0xad: {  	[dreg:$0x0] =	wrdreg $0x60  }
0xae: {  	[dreg:$0x2] =	wrdreg s2  }
0xaf: {  	[dreg:$0x3] =	wrdreg s24  }
0xb0: {  	[dreg:$0x4] =	wrdreg $0x70000  }
0xb1: {  	[dreg:$0x5] =	wrdreg $0x9  }
0xb2: {  	_ =	task.clear_ibuf [dreg:s7], $0x6FFFF;
	_ =	strace $0x9000004C  }
0xb3: {  	s29 =	simm.s32 $0x9;
	_ =	strace $0x8000004E  }
0xb4: {  	_ =	swait.ge [sflag:s29], $0x1  }
0xb5: {  	[sflag:s29] =	ssyncadd.s32 $0xFFFFFFFF  }
0xb6: {  	_ =	strace $0x9000004E  }
0xb7: {  	_ =	sfence  }
0xb8: {  	s30 =	sld [smem:$0x0];
	_ =	sdelay $0x2  }
0xb9: {  	s31 =	sshll.u32 s1, $0xD;
	s1 =	sshrl.u32 s1, $0x2  }
0xba: {  	s3 =	sand.u32 $0x4000, s31;
	s1 =	sadd.s32 s1, s30  }
0xbb: {  	s0 =	sor.u32 s3, s0;
	s1 =	sshll.u32 s1, $0x11  }
0xbc: {  	s0 =	sor.u32 s1, s0  }
0xbd: {  	s0 =	sadd.s32 $0x8F2B, s0  }
0xbe: {  	[sflag:s0] =	ssyncadd.remote.s32 $0x1  }
0xbf: {  	_ =	sfence.sel $0xFFFF  }
0xc0: {  	[dreg:$0x0] =	wrdreg $0xFFFFFFFF;
	(pc) =	sbr.abs _section_cstart, $3  }
0xc1: {  	[dreg:$0x1] =	wrdreg $0xFFFFFFFF  }
0xc2: {  	_ =	task.clear_ibuf [dreg:s7], $0x2FFFF;
	_ =	strace $0x9FFFFFFF  }
0xc3: {  	(tm) =	ssettm $0x7FFFFFFF  }
tec
execute0_lowered:
.L_overlay_start_1:
0x0: {  	(tag) =	ssettag $0x1  }
0x1: {  	s10 =	rddreg [dreg:$0x0]  }
0x2: {  	s1 =	srdreg.scid;
	s6 =	rddreg [dreg:$0x1]  }
0x3: {  	s0 =	stileid.u32;
	s2 =	rddreg [dreg:$0x2];
	s3 =	simm.s32 $0x0  }
0x4: {  	s15 =	simm.s32 $0x2;
	s16 =	simm.s32 $0x2800;
	s17 =	simm.s32 $0x80  }
0x5: {  	s18 =	simm.s32 $0x1;
	s5 =	sand.u32 $0x1, s1;
	s7 =	smul.u32 $0xA000, s0  }
0x6: {  	s29 =	sshll.u32 s0, $0x1;
	[smem:$0x7FF] =	sst s3;
	s9 =	smul.u32 $0x28000, s0  }
0x7: {  	s19 =	sshll.u32 s0, $0x6;
	s1 =	sor.u32 s5, s29;
	s4 =	smul.u32 $0xA0000, s5  }
0x8: {  	s5 =	ssub.s32 $0x2, s5;
	s19 =	sor.u32 $0x1C02, s19;
	s11 =	smul.u32 $0x500, s1  }
0x9: {  	s1 =	rddreg [dreg:$0x3];
	_ =	strace $0x8000004D;
	s30 =	sshrl.u32 s5, $0x1  }
0xa: {  	s31 =	sshrl.u32 s9, $0x2;
	s8 =	sadd.s32 s7, s4;
	s4 =	sadd.s32 $0x16000, s6  }
0xb: {  	s14 =	ssub.s32 s5, s30;
	s5 =	sadd.s32 s7, s2;
	s9 =	sadd.s32 s31, s2  }
0xc: {  	s12 =	sadd.s32 s11, s6;
	s8 =	sshrl.u32 s8, $0x3;
	s7 =	sadd.s32 $0x4000, s9  }
0xd: {  	s10 =	sadd.s32 s10, s11;
	s13 =	sadd.s32 s8, s6;
	s6 =	sadd.s32 $0x2000, s9  }
0xe: {  	s8 =	sadd.s32 $0x6000, s9;
	s9 =	sadd.s32 $0x8000, s9;
	s11 =	sadd.s32 $0xC000, s12  }
0xf: {  	v0 =	vimm.f32 $0.0e+00;
	s12 =	sadd.s32 $0x2A000, s13;
	s13 =	smax.u32 s14, $0x1;
	s14 =	simm.s32 $0x5000  }
.LBB2_1:
0x10: {  	s21 =	simm.s32 $0x100;
	s20 =	simm.s32 $0x0  }
.LBB2_2:
0x11: {  	p0 =	sne.s32 s21, $0x7F00;
	[tilespmem:s20+$0x5030] =	vst v0;
	s22 =	smov.u32 s21;
	s21 =	sadd.s32 $0x100, s21  }
.Ltmp0:
0x12: {  	[tilespmem:s20+$0x5020] =	vst v0;
	(pc) =	sbr.rel @p0 .LBB2_2-.Ltmp0, $3  }
0x13: {  	[tilespmem:s20+$0x5000] =	vst v0  }
0x14: {  	[tilespmem:s20+$0x5010] =	vst v0;
	_ =	sdelay $0x1  }
0x15: {  	s20 =	sshra.s32 s22, $0x2  }
0x16: {  	[tilespmem:s20+$0x5030] =	vst v0  }
0x17: {  	[tilespmem:s20+$0x5020] =	vst v0  }
0x18: {  	[tilespmem:s20+$0x5000] =	vst v0  }
0x19: {  	[tilespmem:s20+$0x5010] =	vst v0  }
0x1a: {  	[spmem:s5] =	stream.linear.scatter [tilespmem:s14], [sflag:$0x2], $0x2000, $0x38;
	[tilespmem:$0x11000] =	vst v63  }
0x1b: {  	_ =	swait.ge [sflag:s15], $0x2000  }
0x1c: {  	[sflag:s15] =	ssyncset.done $0x0  }
0x1d: {  	[sflag:s15] =	ssyncadd.s32 $0xFFFFE000  }
0x1e: {  	[spmem:s6] =	stream.linear.scatter [tilespmem:s14], [sflag:$0x2], $0x2000, $0x38;
	[tilespmem:$0x11000] =	vst v63  }
0x1f: {  	_ =	swait.ge [sflag:s15], $0x2000  }
0x20: {  	[sflag:s15] =	ssyncset.done $0x0  }
0x21: {  	[sflag:s15] =	ssyncadd.s32 $0xFFFFE000  }
0x22: {  	[spmem:s7] =	stream.linear.scatter [tilespmem:s14], [sflag:$0x2], $0x2000, $0x38;
	[tilespmem:$0x11000] =	vst v63  }
0x23: {  	_ =	swait.ge [sflag:s15], $0x2000  }
0x24: {  	[sflag:s15] =	ssyncset.done $0x0  }
0x25: {  	[sflag:s15] =	ssyncadd.s32 $0xFFFFE000  }
0x26: {  	[spmem:s8] =	stream.linear.scatter [tilespmem:s14], [sflag:$0x2], $0x2000, $0x38;
	[tilespmem:$0x11000] =	vst v63  }
0x27: {  	_ =	swait.ge [sflag:s15], $0x2000  }
0x28: {  	[sflag:s15] =	ssyncset.done $0x0  }
0x29: {  	[sflag:s15] =	ssyncadd.s32 $0xFFFFE000  }
0x2a: {  	[spmem:s9] =	stream.linear.scatter [tilespmem:s14], [sflag:$0x2], $0x2000, $0x38;
	[tilespmem:$0x11000] =	vst v63  }
0x2b: {  	_ =	swait.ge [sflag:s15], $0x2000  }
0x2c: {  	[sflag:s15] =	ssyncset.done $0x0  }
0x2d: {  	[sflag:s15] =	ssyncadd.s32 $0xFFFFE000  }
0x2e: {  	s29 =	simm.s32 $0x0;
	[bflag:$0x0] =	sbarrier.arrive $0xFFFF  }
0x2f: {  	[tilespmem:s29], [sflag:$0x2] =	stream.linear.gather [hbm4b:s10+s29], $0x2800, $0x38;
	[tilespmem:$0x11000] =	vst v63  }
0x30: {  	_ =	swait.ge [sflag:s15], $0x2800  }
0x31: {  	[sflag:s15] =	ssyncset.done $0x0  }
0x32: {  	[sflag:s15] =	ssyncadd.s32 $0xFFFFD800  }
0x33: {  	[tilespmem:s16], [sflag:$0x2] =	stream.linear.gather [hbm4b:s11+s29], $0x2800, $0x38;
	[tilespmem:$0x11000] =	vst v63  }
0x34: {  	_ =	swait.ge [sflag:s15], $0x2800  }
0x35: {  	[sflag:s15] =	ssyncset.done $0x0  }
0x36: {  	s30 =	simm.s32 $0x0;
	[sflag:s15] =	ssyncadd.s32 $0xFFFFD800  }
0x37: {  	[tilespmem:s14], [sflag:$0x1] =	stream.indirect.gather [hbm4b:s4+s17], $0x40, s30, s17, $0xb8;
	[tilespmem:$0x11000] =	vst v63  }
0x38: {  	_ =	swait.ge [sflag:s18], $0x2000  }
0x39: {  	[sflag:s18] =	ssyncset.done $0x0  }
0x3a: {  	s31 =	simm.s32 $0x2800;
	[sflag:s18] =	ssyncadd.s32 $0xFFFFE000  }
0x3b: {  	[spmem:s2] =	stream.indirect.scatter.add.f32 [tilespmem:s14], [sflag:$0x2], $0x40, s31, s17, $0xb8;
	[tilespmem:$0x11000] =	vst v63  }
0x3c: {  	_ =	swait.ge [sflag:s15], $0x2000  }
0x3d: {  	s20 =	simm.s32 $0x200;
	s21 =	simm.s32 $0x400;
	[sflag:s15] =	ssyncset.done $0x0  }
.LBB2_4:
0x3e: {  	s22 =	sshra.s32 s20, $0x2  }
0x3f: {  	[sflag:s15] =	ssyncadd.s32 $0xFFFFE000;
	s20 =	smov.u32 s21;
	s23 =	sadd.s32 $0x200, s21  }
0x40: {  	[tilespmem:s14], [sflag:$0x1] =	stream.indirect.gather [hbm4b:s4+s17], $0x40, s22, s17, $0xb8;
	[tilespmem:$0x11000] =	vst v63  }
0x41: {  	p0 =	sne.s32 s21, $0x9E00;
	_ =	swait.ge [sflag:s18], $0x2000  }
.Ltmp1:
0x42: {  	[sflag:s18] =	ssyncset.done $0x0;
	(pc) =	sbr.rel @p0 .LBB2_4-.Ltmp1, $4  }
0x43: {  	s21 =	sadd.s32 $0x2800, s22;
	[sflag:s18] =	ssyncadd.s32 $0xFFFFE000  }
0x44: {  	[spmem:s2] =	stream.indirect.scatter.add.f32 [tilespmem:s14], [sflag:$0x2], $0x40, s21, s17, $0xb8;
	[tilespmem:$0x11000] =	vst v63  }
0x45: {  	_ =	swait.ge [sflag:s15], $0x2000  }
0x46: {  	s21 =	smov.u32 s23;
	[sflag:s15] =	ssyncset.done $0x0  }
0x47: {  	s20 =	sshra.s32 s20, $0x2;
	[sflag:s15] =	ssyncadd.s32 $0xFFFFE000  }
0x48: {  	[tilespmem:s14], [sflag:$0x1] =	stream.indirect.gather [hbm4b:s4+s17], $0x40, s20, s17, $0xb8;
	[tilespmem:$0x11000] =	vst v63  }
0x49: {  	_ =	swait.ge [sflag:s18], $0x2000  }
0x4a: {  	[sflag:s18] =	ssyncset.done $0x0  }
0x4b: {  	s20 =	sadd.s32 $0x2800, s20;
	[sflag:s18] =	ssyncadd.s32 $0xFFFFE000  }
0x4c: {  	[spmem:s2] =	stream.indirect.scatter.add.f32 [tilespmem:s14], [sflag:$0x2], $0x40, s20, s17, $0xb8;
	[tilespmem:$0x11000] =	vst v63  }
0x4d: {  	_ =	swait.ge [sflag:s15], $0x2000  }
0x4e: {  	s3 =	sadd.s32 $0x1, s3;
	[sflag:s15] =	ssyncset.done $0x0  }
0x4f: {  	p0 =	sne.s32 s3, s13;
	[sflag:s15] =	ssyncadd.s32 $0xFFFFE000  }
.Ltmp2:
0x50: {  	s31 =	sshrl.u32 s5, $0x3;
	[bflag:$0x0] =	sbarrier.arrive $0xFFFF;
	(pc) =	sbr.rel @p0 .LBB2_1-.Ltmp2, $4  }
0x51: {  	[hbm:s12], [sflag:s19] =	dma.local [spmem:s31], $0x1400  }
0x52: {  	_ =	swait.ge [sflag:s15], $0x1400  }
0x53: {  	[sflag:s15] =	ssyncset.done $0x0  }
0x54: {  	[sflag:s15] =	ssyncadd.s32 $0xFFFFEC00  }
0x55: {  	_ =	sfence.sel $0x180000  }
0x56: {  	[bflag:$0x0] =	sbarrier.arrive $0xFFFF  }
0x57: {  	p0 =	sne.s32 s0, $0x0;
	_ =	strace $0x9000004D  }
0x58: {  	s0 =	sadd.s32 @!p0 $0x100000, s1;
	[bflag:$0x2] =	sbarrier.arrive $0xFFFF  }
0x59: {  	[sflag:s0] =	ssyncadd.tile.s32 @!p0 $0x1;
	_ =	shalt  }
.Lfunc_end2:
_tile_overlayer_lowered:
.L_overlay_start_2:
0x5a: {  	(tag) =	ssettag $0x2  }
0x5b: {  	s0 =	rddreg [dreg:$0x0];
	s2 =	stileid.u32  }
0x5c: {  	s1 =	rddreg [dreg:$0x1];
	p0 =	sne.s32 s2, $0x0  }
0x5d: {  	s3 =	rddreg [dreg:$0x2];
	[bflag:$0x3] =	sbarrier.arrive $0xFFFF;
	s2 =	simm.s32 @!p0 $0x1C02  }
0x5e: {  	[timem:s3], [sflag:s2] =	dma.local @!p0 [hbm:s0], s1  }
0x5f: {  	s0 =	simm.s32 @!p0 $0x2  }
0x60: {  	_ =	swait.ge @!p0 [sflag:s0], s1  }
0x61: {  	s1 =	ssub.s32 @!p0 $0x0, s1;
	[sflag:s0] =	ssyncset.done @!p0 $0x0  }
0x62: {  	[sflag:s0] =	ssyncadd.s32 @!p0 s1  }
0x63: {  	[bflag:$0x3] =	sbarrier.arrive $0xFFFF  }
0x64: {  	_ =	shalt  }

// kernel: kernel.9.cloned.1.call-start
scs
__scs_entry_jumppad:
0x0: {  	(pc) =	sbr.rel $0x88, $3  }
0x1: {  	(tag) =	ssettag $0x0;
	lr =	simm.s32 $0x1  }
0x2: {  	[smem:$0x3F9B] =	sst lr;
	_ =	strace $0xD0000000  }
0x3: {  	_ = 	snop  }
0x4: {  	_ = 	snop  }
0x5: {  	_ = 	snop  }
0x6: {  	_ = 	snop  }
0x7: {  	_ = 	snop  }
__scs_overlays_trampoline_lowered:
0x8: {  	[smem:$0x3FAA] =	sst s0  }
0x9: {  	[smem:$0x3FAB] =	sst s1  }
0xa: {  	[smem:$0x3FAC] =	sst s2  }
0xb: {  	[smem:$0x3FAD] =	sst s3  }
0xc: {  	[smem:$0x3FAE] =	sst s4  }
0xd: {  	[smem:$0x3FAF] =	sst s5  }
0xe: {  	[smem:$0x3FB0] =	sst s6  }
0xf: {  	[smem:$0x3FB1] =	sst s7  }
0x10: {  	[smem:$0x3FB2] =	sst s8  }
0x11: {  	[smem:$0x3FB3] =	sst s9;
	s0 =	simm.s32 @!p0 $0x0  }
0x12: {  	s1 =	sld [smem:$0x3F99];
	s0 =	simm.s32 @p0 $0x1  }
0x13: {  	[smem:$0x3FB4] =	sst s0;
	s0 =	simm.s32 @!p1 $0x0  }
0x14: {  	s2 =	sld [smem:$0x3F98];
	s0 =	simm.s32 @p1 $0x1  }
0x15: {  	[smem:$0x3FB5] =	sst s0;
	s0 =	simm.s32 @!p2 $0x0  }
0x16: {  	s3 =	sld [smem:$0x3FDB];
	s0 =	simm.s32 @p2 $0x1  }
0x17: {  	s4 =	simm.s32 $0x1BF5;
	[smem:$0x3FB7] =	sst s0  }
0x18: {  	s0 =	sld [smem:$0x3F9A];
	_ =	swait.ge [sflag:s4], $0x0  }
0x19: {  	s7 =	sld [smem:$0x3F9B]  }
0x1a: {  	s8 =	sadd.s32 $0xFFFFE003, lr  }
0x1b: {  	s9 =	sadd.s32 $0xFFFFFEF7, lr;
	s5 =	simm.s32 $0xFFFFFFFF;
	p2 =	slt.u32 s8, $0xFFFFF086  }
0x1c: {  	p1 =	slt.u32 s9, $0xF7A;
	s5 =	simm.s32 @!p2 $0x0  }
0x1d: {  	s5 =	simm.s32 @p1 $0x1;
	p0 =	seq.s32 s7, s2  }
0x1e: {  	s7 =	smul.u32 @!p0 $0xF7A, s2;
	p2 =	seq.s32 @!p0 s5, $0x0  }
0x1f: {  	s9 =	smul.u32 $0xF7A, s1;
	s8 =	simm.s32 @!p0 $0x1BF5;
	p2 =	por !p2, p0  }
0x20: {  	[sflag:s8] =	ssyncset.s32 @!p0 $0xFFFFF086;
	s6 =	sadd.s32 @!p0 s3, s7;
	s7 =	simm.s32 @!p0 $0x108  }
0x21: {  	s3 =	sadd.s32 s3, s9;
	s6 =	sadd.s32 @!p0 $0x88, s6;
	s7 =	simm.s32 @p2 $0x1082  }
0x22: {  	[simem:s7], [sflag:s8] =	dma.local @!p0 [hbm:s6], $0xF7A  }
0x23: {  	s9 =	sor.u32 $0xD0000000, s2;
	s6 =	simm.s32 $0x108;
	_ =	swait.ge @!p0 [sflag:s8], $0x0  }
0x24: {  	s3 =	sadd.s32 $0x88, s3;
	s6 =	simm.s32 @!p1 $0x1082;
	[sflag:s4] =	ssyncset.s32 $0xFFFFF086  }
0x25: {  	[simem:s6], [sflag:s4] =	dma.local [hbm:s3], $0xF7A  }
0x26: {  	[smem:$0x3F9B] =	sst s1;
	(tag) =	ssettag s2;
	_ =	strace s9  }
0x27: {  	s1 =	sld [smem:$0x3FAB]  }
0x28: {  	s2 =	sld [smem:$0x3FAC]  }
0x29: {  	s4 =	sld [smem:$0x3FAE]  }
0x2a: {  	p0 =	seq.s32 s5, $0x0;
	s5 =	sld [smem:$0x3FAF]  }
0x2b: {  	s6 =	sld [smem:$0x3FB0]  }
0x2c: {  	s7 =	sld [smem:$0x3FB1]  }
0x2d: {  	s3 =	simm.s32 $0x108;
	s8 =	sld [smem:$0x3FB2]  }
0x2e: {  	s3 =	simm.s32 @!p0 $0x1082;
	s9 =	sld [smem:$0x3FB3]  }
0x2f: {  	lr =	sadd.s32 s0, s3;
	s0 =	sld [smem:$0x3FAA]  }
0x30: {  	s3 =	sld [smem:$0x3FAD]  }
0x31: {  	[smem:$0x3FB6] =	sst s10  }
0x32: {  	s10 =	sld [smem:$0x3FB4];
	_ =	sdelay $0x3  }
0x33: {  	p0 =	seq.s32 s10, $0x1;
	s10 =	sld [smem:$0x3FB6];
	_ =	sdelay $0x3  }
0x34: {  	[smem:$0x3FB6] =	sst s10  }
0x35: {  	s10 =	sld [smem:$0x3FB5];
	_ =	sdelay $0x3  }
0x36: {  	p1 =	seq.s32 s10, $0x1;
	s10 =	sld [smem:$0x3FB6];
	_ =	sdelay $0x3  }
0x37: {  	[smem:$0x3FB6] =	sst s10  }
0x38: {  	s10 =	sld [smem:$0x3FB7]  }
0x39: {  	_ = 	snop;
	(pc) =	sbr.ind lr, $3  }
0x3a: {  	_ = 	snop  }
0x3b: {  	_ = 	snop  }
0x3c: {  	p2 =	seq.s32 s10, $0x1;
	s10 =	sld [smem:$0x3FB6]  }
0x3d: {  	_ =	shalt  }
0x3e: {  	_ =	shalt  }
0x3f: {  	_ =	shalt  }
0x40: {  	_ =	shalt  }
0x41: {  	_ =	shalt  }
0x42: {  	_ =	shalt  }
0x43: {  	_ =	shalt  }
0x44: {  	_ =	shalt  }
0x45: {  	_ =	shalt  }
0x46: {  	_ =	shalt  }
0x47: {  	_ =	shalt  }
0x48: {  	_ =	shalt  }
0x49: {  	_ =	shalt  }
0x4a: {  	_ =	shalt  }
0x4b: {  	_ =	shalt  }
0x4c: {  	_ =	shalt  }
0x4d: {  	_ =	shalt  }
0x4e: {  	_ =	shalt  }
0x4f: {  	_ =	shalt  }
0x50: {  	_ =	shalt  }
0x51: {  	_ =	shalt  }
0x52: {  	_ =	shalt  }
0x53: {  	_ =	shalt  }
0x54: {  	_ =	shalt  }
0x55: {  	_ =	shalt  }
0x56: {  	_ =	shalt  }
0x57: {  	_ =	shalt  }
0x58: {  	_ =	shalt  }
0x59: {  	_ =	shalt  }
0x5a: {  	_ =	shalt  }
0x5b: {  	_ =	shalt  }
0x5c: {  	_ =	shalt  }
0x5d: {  	_ =	shalt  }
0x5e: {  	_ =	shalt  }
0x5f: {  	_ =	shalt  }
0x60: {  	_ =	shalt  }
0x61: {  	_ =	shalt  }
0x62: {  	_ =	shalt  }
0x63: {  	_ =	shalt  }
0x64: {  	_ =	shalt  }
0x65: {  	_ =	shalt  }
0x66: {  	_ =	shalt  }
0x67: {  	_ =	shalt  }
0x68: {  	_ =	shalt  }
0x69: {  	_ =	shalt  }
0x6a: {  	_ =	shalt  }
0x6b: {  	_ =	shalt  }
0x6c: {  	_ =	shalt  }
0x6d: {  	_ =	shalt  }
0x6e: {  	_ =	shalt  }
0x6f: {  	_ =	shalt  }
0x70: {  	_ =	shalt  }
0x71: {  	_ =	shalt  }
0x72: {  	_ =	shalt  }
0x73: {  	_ =	shalt  }
0x74: {  	_ =	shalt  }
0x75: {  	_ =	shalt  }
0x76: {  	_ =	shalt  }
0x77: {  	_ =	shalt  }
0x78: {  	_ =	shalt  }
0x79: {  	_ =	shalt  }
0x7a: {  	_ =	shalt  }
0x7b: {  	_ =	shalt  }
0x7c: {  	_ =	shalt  }
0x7d: {  	_ =	shalt  }
0x7e: {  	_ =	shalt  }
0x7f: {  	_ =	shalt  }
0x80: {  	_ =	shalt  }
0x81: {  	_ =	shalt  }
0x82: {  	_ =	shalt  }
0x83: {  	_ =	shalt  }
0x84: {  	_ =	shalt  }
0x85: {  	_ =	shalt  }
0x86: {  	_ =	shalt  }
0x87: {  	_ =	shalt  }
.Lfunc_end0:
.L_simem_size_0:
called_computation_lowered:
.L_overlay_start_0:
0x88: {  	s2 =	sld [smem:$0x3FD9]  }
0x89: {  	s3 =	sld [smem:$0x3FFE];
	_ =	sdelay $0x1  }
0x8a: {  	s1 =	srdreg.scid  }
0x8b: {  	s0 =	sand.u32 $0x1, s1  }
0x8c: {  	s16 =	sshll.u32 s0, $0xA;
	s2 =	sadd.s32 s3, s2  }
0x8d: {  	s2 =	sadd.s32 s2, s16  }
0x8e: {  	[smem:$0x3FC2] =	sst s2  }
0x8f: {  	_ = 	snop  }
0x90: {  	(tm) =	ssettm $0x1  }
0x91: {  	s17 =	sld [smem:$0x3FFB];
	_ =	sdelay $0x3  }
0x92: {  	_ =	strace s17  }
0x93: {  	s2 =	sld [smem:$0x3FFC];
	_ =	sdelay $0x3  }
0x94: {  	_ =	strace s2  }
0x95: {  	s2 =	sld [smem:$0x3FFD];
	_ =	sdelay $0x3  }
0x96: {  	_ =	strace s2  }
0x97: {  	_ =	strace $0x8FFFFFFF  }
0x98: {  	s18 =	sld [smem:$0x3FDB];
	_ =	sdelay $0x1  }
0x99: {  	s19 =	simm.s32 $_scs_section_size  }
0x9a: {  	s4 =	simm.s32 $_size__tile_overlayer_lowered;
	s5 =	simm.s32 $_tile_overlayer_lowered  }
0x9b: {  	s22 =	simm.s32 $0x1BFF;
	s21 =	sshll.u32 s5, $0x1;
	s2 =	sadd.s32 s19, s18  }
0x9c: {  	s6 =	simm.s32 $0x0;
	s20 =	sshll.u32 s4, $0x1;
	s4 =	sadd.s32 s21, s2  }
0x9d: {  	[timem:s6], [sflag:s22] =	dma.local [hbm:s4], s20  }
0x9e: {  	_ =	swait.ge [sflag:s22], s20  }
0x9f: {  	s3 =	ssub.s32 $0x0, s20;
	[sflag:s22] =	ssyncset.done $0x0  }
0xa0: {  	[sflag:s22] =	ssyncadd.s32 s3;
	_ =	sdelay $0x1  }
0xa1: {  	s23 =	simm.s32 $0x1B8B  }
0xa2: {  	_ =	swait.ge [sflag:s23], $0x1  }
0xa3: {  	[sflag:s23] =	ssyncset.done $0x0  }
0xa4: {  	s25 =	simm.s32 $0x1B8E;
	s24 =	sld [smem:$0x3FFE];
	[sflag:s23] =	ssyncadd.s32 $0xFFFFFFFF  }
0xa5: {  	s26 =	simm.s32 $execute0_lowered;
	[smem:$0x3FD2] =	sst s25  }
0xa6: {  	s4 =	sshll.u32 s26, $0x1;
	_ =	strace $0x80000046;
	[dreg:$0x1] =	wrdreg $0xFFFFFFFF  }
0xa7: {  	s28 =	simm.s32 $_size_execute0_lowered;
	s2 =	sadd.s32 s2, s4;
	[dreg:$0x0] =	wrdreg $0x0  }
0xa8: {  	s4 =	sshll.u32 s28, $0x1;
	[dreg:$0x2] =	wrdreg s2  }
0xa9: {  	[dreg:$0x3] =	wrdreg s4  }
0xaa: {  	[dreg:$0x4] =	wrdreg $0xC0  }
0xab: {  	_ =	task [dreg:s6], $0x5FFFF  }
0xac: {  	[dreg:$0x1] =	wrdreg $0xFFFFFFFF  }
0xad: {  	[dreg:$0x0] =	wrdreg $0x60  }
0xae: {  	[dreg:$0x2] =	wrdreg s24  }
0xaf: {  	[dreg:$0x3] =	wrdreg $0x2B000  }
0xb0: {  	[dreg:$0x4] =	wrdreg $0x9  }
0xb1: {  	_ =	task.clear_ibuf [dreg:s6], $0x5FFFF;
	_ =	strace $0x90000046  }
0xb2: {  	s29 =	simm.s32 $0x9;
	_ =	strace $0x80000048  }
0xb3: {  	_ =	swait.ge [sflag:s29], $0x1  }
0xb4: {  	[sflag:s29] =	ssyncadd.s32 $0xFFFFFFFF  }
0xb5: {  	_ =	strace $0x90000048  }
0xb6: {  	_ =	sfence  }
0xb7: {  	s30 =	sld [smem:$0x0];
	_ =	sdelay $0x2  }
0xb8: {  	s31 =	sshll.u32 s1, $0xD;
	s1 =	sshrl.u32 s1, $0x2  }
0xb9: {  	s3 =	sand.u32 $0x4000, s31;
	s1 =	sadd.s32 s1, s30  }
0xba: {  	s0 =	sor.u32 s3, s0;
	s1 =	sshll.u32 s1, $0x11  }
0xbb: {  	s0 =	sor.u32 s1, s0  }
0xbc: {  	s0 =	sadd.s32 $0x8F2B, s0  }
0xbd: {  	[sflag:s0] =	ssyncadd.remote.s32 $0x1  }
0xbe: {  	_ =	sfence.sel $0xFFFF  }
0xbf: {  	[dreg:$0x0] =	wrdreg $0xFFFFFFFF;
	(pc) =	sbr.abs _section_cstart, $3  }
0xc0: {  	[dreg:$0x1] =	wrdreg $0xFFFFFFFF  }
0xc1: {  	_ =	task.clear_ibuf [dreg:s6], $0x2FFFF;
	_ =	strace $0x9FFFFFFF  }
0xc2: {  	(tm) =	ssettm $0x7FFFFFFF  }
0xc3: {  	_ =	shalt  }
tec
execute0_lowered:
.L_overlay_start_1:
0x0: {  	(tag) =	ssettag $0x1  }
0x1: {  	s4 =	rddreg [dreg:$0x0]  }
0x2: {  	s2 =	rddreg [dreg:$0x1]  }
0x3: {  	s3 =	srdreg.scid;
	s1 =	stileid.u32  }
0x4: {  	s0 =	rddreg [dreg:$0x2];
	s10 =	simm.s32 $0x80;
	s11 =	simm.s32 $0x2800  }
0x5: {  	s14 =	simm.s32 $0x20;
	s15 =	simm.s32 $0x10;
	s16 =	simm.s32 $0x0  }
0x6: {  	s5 =	sand.u32 $0x1, s3;
	s6 =	sshll.u32 s1, $0x1;
	s7 =	smul.u32 $0x500, s1  }
0x7: {  	s3 =	simm.s32 $0x0;
	s30 =	smul.u32 $0xA00, s1;
	s12 =	sshll.u32 s1, $0x6  }
0x8: {  	s6 =	sor.u32 s5, s6;
	[smem:$0x7FF] =	sst s3;
	s8 =	sshll.u32 s5, $0x7  }
0x9: {  	s5 =	ssub.s32 $0x2, s5;
	s12 =	sor.u32 $0x1C01, s12;
	s6 =	smul.u32 $0x500, s6  }
0xa: {  	_ =	strace $0x80000047;
	s7 =	sor.u32 s8, s7;
	s31 =	sshrl.u32 s5, $0x1  }
0xb: {  	s8 =	sshrl.u32 s30, $0x2;
	s7 =	sshrl.u32 s7, $0x3;
	s9 =	ssub.s32 s5, s31  }
0xc: {  	s6 =	sadd.s32 s6, s4;
	s7 =	sadd.s32 s7, s4;
	s4 =	sadd.s32 s8, s2  }
0xd: {  	s8 =	simm.s32 $0x2880;
	s5 =	sadd.s32 $0x2000, s6;
	s6 =	sadd.s32 $0x16000, s7  }
0xe: {  	v0 =	vimm.f32 $1.000000000e+00;
	v1 =	vimm.f32 $0.0e+00;
	s7 =	smax.u32 s9, $0x1;
	s9 =	simm.s32 $0x1;
	s13 =	sshrl.u32 s4, $0x3  }
.LBB2_1:
0xf: {  	[tilespmem:$0x2800] =	vst v0  }
0x10: {  	[tilespmem:$0x2810] =	vst v0  }
0x11: {  	[tilespmem:$0x2820] =	vst v0  }
0x12: {  	[tilespmem:$0x2830] =	vst v0  }
0x13: {  	[tilespmem:$0x2840] =	vst v0  }
0x14: {  	[tilespmem:$0x2850] =	vst v0  }
0x15: {  	[tilespmem:$0x2860] =	vst v0  }
0x16: {  	[tilespmem:$0x2870] =	vst v0  }
0x17: {  	[tilespmem:$0x2880] =	vst v1  }
0x18: {  	[tilespmem:$0x2890] =	vst v1  }
0x19: {  	[tilespmem:$0x28A0] =	vst v1  }
0x1a: {  	[tilespmem:$0x28B0] =	vst v1  }
0x1b: {  	[tilespmem:$0x28C0] =	vst v1  }
0x1c: {  	[tilespmem:$0x28D0] =	vst v1  }
0x1d: {  	[tilespmem:$0x28E0] =	vst v1  }
0x1e: {  	[tilespmem:$0x28F0] =	vst v1  }
0x1f: {  	[tilespmem:$0x2900] =	vst v1  }
0x20: {  	[tilespmem:$0x2910] =	vst v1  }
0x21: {  	[tilespmem:$0x2920] =	vst v1  }
0x22: {  	[tilespmem:$0x2930] =	vst v1  }
0x23: {  	[tilespmem:$0x2940] =	vst v1  }
0x24: {  	[tilespmem:$0x2950] =	vst v1  }
0x25: {  	[tilespmem:$0x2960] =	vst v1  }
0x26: {  	[tilespmem:$0x2970] =	vst v1  }
0x27: {  	[tilespmem:$0x2980] =	vst v1  }
0x28: {  	[tilespmem:$0x2990] =	vst v1  }
0x29: {  	[tilespmem:$0x29A0] =	vst v1  }
0x2a: {  	[tilespmem:$0x29B0] =	vst v1  }
0x2b: {  	[tilespmem:$0x29C0] =	vst v1  }
0x2c: {  	[tilespmem:$0x29D0] =	vst v1  }
0x2d: {  	[tilespmem:$0x29E0] =	vst v1  }
0x2e: {  	[tilespmem:$0x29F0] =	vst v1  }
0x2f: {  	[tilespmem:$0x2A00] =	vst v1  }
0x30: {  	[tilespmem:$0x2A10] =	vst v1  }
0x31: {  	[tilespmem:$0x2A20] =	vst v1  }
0x32: {  	[tilespmem:$0x2A30] =	vst v1  }
0x33: {  	[tilespmem:$0x2A40] =	vst v1  }
0x34: {  	[tilespmem:$0x2A50] =	vst v1  }
0x35: {  	[tilespmem:$0x2A60] =	vst v1  }
0x36: {  	[tilespmem:$0x2A70] =	vst v1  }
0x37: {  	[tilespmem:$0x2A80] =	vst v1  }
0x38: {  	[tilespmem:$0x2A90] =	vst v1  }
0x39: {  	[tilespmem:$0x2AA0] =	vst v1  }
0x3a: {  	[tilespmem:$0x2AB0] =	vst v1  }
0x3b: {  	[tilespmem:$0x2AC0] =	vst v1  }
0x3c: {  	[tilespmem:$0x2AD0] =	vst v1  }
0x3d: {  	[tilespmem:$0x2AE0] =	vst v1  }
0x3e: {  	[tilespmem:$0x2AF0] =	vst v1  }
0x3f: {  	[spmem:s4] =	stream.linear.scatter [tilespmem:s8], [sflag:$0x1], $0x280, $0x38;
	[tilespmem:$0x2D80] =	vst v63  }
0x40: {  	_ =	swait.ge [sflag:s9], $0x280  }
0x41: {  	[sflag:s9] =	ssyncset.done $0x0  }
0x42: {  	[sflag:s9] =	ssyncadd.s32 $0xFFFFFD80  }
0x43: {  	[bflag:$0x0] =	sbarrier.arrive $0xFFFF  }
0x44: {  	[tilespmem:s3], [sflag:$0x1] =	stream.linear.gather [hbm4b:s5+s3], $0x2800, $0x38;
	[tilespmem:$0x2D80] =	vst v63  }
0x45: {  	_ =	swait.ge [sflag:s9], $0x2800  }
0x46: {  	[sflag:s9] =	ssyncset.done $0x0  }
0x47: {  	s17 =	simm.s32 $0x0;
	[sflag:s9] =	ssyncadd.s32 $0xFFFFD800  }
0x48: {  	[spmem:s2] =	stream.indirect.scatter.add.f32 [tilespmem:s11], [sflag:$0x1], $0x1, s17, s10, $0xb8;
	[tilespmem:$0x2D80] =	vst v63  }
0x49: {  	_ =	swait.ge [sflag:s9], $0x80  }
0x4a: {  	s17 =	simm.s32 $0x200;
	[sflag:s9] =	ssyncset.done $0x0  }
.LBB2_2:
0x4b: {  	s18 =	sshra.s32 s17, $0x2;
	[sflag:s9] =	ssyncadd.s32 $0xFFFFFF80;
	p0 =	sne.s32 s17, $0x9E00  }
0x4c: {  	[spmem:s2] =	stream.indirect.scatter.add.f32 [tilespmem:s11], [sflag:$0x1], $0x1, s18, s10, $0xb8;
	[tilespmem:$0x2D80] =	vst v63  }
.Ltmp0:
0x4d: {  	_ = 	snop;
	(pc) =	sbr.rel @p0 .LBB2_2-.Ltmp0, $4  }
0x4e: {  	_ = 	snop  }
0x4f: {  	s17 =	sadd.s32 $0x200, s17  }
0x50: {  	_ =	swait.ge [sflag:s9], $0x80  }
0x51: {  	[sflag:s9] =	ssyncset.done $0x0  }
0x52: {  	s16 =	sadd.s32 $0x1, s16  }
0x53: {  	[sflag:s9] =	ssyncadd.s32 $0xFFFFFF80;
	p0 =	sne.s32 s16, s7  }
.Ltmp1:
0x54: {  	[bflag:$0x0] =	sbarrier.arrive $0xFFFF;
	(pc) =	sbr.rel @p0 .LBB2_1-.Ltmp1, $4  }
0x55: {  	[hbm:s6@s14], [sflag:s12] =	dma.strided [spmem:s13@s15], $0x50, s9, $0x10   }
0x56: {  	_ =	swait.ge [sflag:s9], $0x50  }
0x57: {  	[sflag:s9] =	ssyncset.done $0x0  }
0x58: {  	[sflag:s9] =	ssyncadd.s32 $0xFFFFFFB0  }
0x59: {  	_ =	sfence.sel $0x180000  }
0x5a: {  	[bflag:$0x0] =	sbarrier.arrive $0xFFFF  }
0x5b: {  	p0 =	sne.s32 s1, $0x0;
	_ =	strace $0x90000047  }
0x5c: {  	s0 =	sadd.s32 @!p0 $0x100000, s0;
	[bflag:$0x2] =	sbarrier.arrive $0xFFFF  }
0x5d: {  	[sflag:s0] =	ssyncadd.tile.s32 @!p0 $0x1;
	_ =	shalt  }
.Lfunc_end2:
_tile_overlayer_lowered:
.L_overlay_start_2:
0x5e: {  	(tag) =	ssettag $0x2  }
0x5f: {  	s0 =	rddreg [dreg:$0x0];
	s2 =	stileid.u32  }
0x60: {  	s1 =	rddreg [dreg:$0x1];
	p0 =	sne.s32 s2, $0x0  }
0x61: {  	s3 =	rddreg [dreg:$0x2];
	[bflag:$0x3] =	sbarrier.arrive $0xFFFF;
	s2 =	simm.s32 @!p0 $0x1C01  }
0x62: {  	[timem:s3], [sflag:s2] =	dma.local @!p0 [hbm:s0], s1  }
0x63: {  	s0 =	simm.s32 @!p0 $0x1  }
0x64: {  	_ =	swait.ge @!p0 [sflag:s0], s1  }
0x65: {  	s1 =	ssub.s32 @!p0 $0x0, s1;
	[sflag:s0] =	ssyncset.done @!p0 $0x0  }
0x66: {  	[sflag:s0] =	ssyncadd.s32 @!p0 s1  }
0x67: {  	[bflag:$0x3] =	sbarrier.arrive $0xFFFF  }
0x68: {  	_ =	shalt  }

</sc_bundles>
